<compile_context>
chip_gen: v7x
topology: tpu7x:2x2x1
jax: 0.10.2.dev20260603
libtpu: 0.0.44.dev20260713+nightly
codegen_flags: <defaults>
</compile_context>

<pallas_src>
import functools

import jax
import jax.numpy as jnp
from jax import lax
from jax.experimental import pallas as pl
from jax.experimental.pallas import tpu as pltpu
from jax.experimental.pallas import tpu_sc as plsc

_VOCAB = 100000
_HIDDEN = 128
_MAX_LEN = 2048
_BATCH = 4
_NC = 2
_NS = 16
_NW = _NC * _NS
_LANES = 16
_S_PER_W = _MAX_LEN // _NW
_TOK_PER_W = _BATCH * _S_PER_W
_JJ = _HIDDEN // _LANES


def _emb_kernel(ids_hbm, tt_hbm, word_hbm, pos_hbm, type_hbm, out_hbm,
                idx_v, tti_v, ttv_v, we_v, pe_v, ty_v,
                g_sems, idx_sems, tt_sem, ty_sem, pe_sem, out_sem):
    wid = lax.axis_index("s") * _NC + lax.axis_index("c")
    s0 = wid * _S_PER_W

    idx_copies = [
        pltpu.async_copy(ids_hbm.at[b, pl.ds(s0, _S_PER_W)], idx_v.at[b],
                         idx_sems.at[b])
        for b in range(_BATCH)
    ]
    tt_copies = [
        pltpu.async_copy(tt_hbm.at[b, pl.ds(s0, _S_PER_W)], tti_v.at[b],
                         tt_sem)
        for b in range(_BATCH)
    ]
    ty_copy = pltpu.async_copy(type_hbm, ty_v, ty_sem)
    pe_copy = pltpu.async_copy(pos_hbm.at[pl.ds(s0, _S_PER_W)], pe_v, pe_sem)
    gathers = []
    for b in range(_BATCH):
        idx_copies[b].wait()
        gathers.append(
            pltpu.async_copy(word_hbm.at[idx_v.at[b]],
                             we_v.at[pl.ds(b * _S_PER_W, _S_PER_W)],
                             g_sems.at[b]))
    for c in tt_copies:
        c.wait()
    ty_copy.wait()

    def splat(g, _):
        b = g // (_S_PER_W // _LANES)
        r0 = (g % (_S_PER_W // _LANES)) * _LANES
        tts = tti_v[b, pl.ds(r0, _LANES)].astype(jnp.float32)
        for k in range(_LANES):
            ttv_v[b * _S_PER_W + r0 + k, pl.ds(0, _LANES)] = jnp.full(
                (_LANES,), tts[k], jnp.float32)
        return _

    lax.fori_loop(0, _TOK_PER_W // _LANES, splat, None)

    t0 = [ty_v[0, pl.ds(j * _LANES, _LANES)] for j in range(_JJ)]
    td = [ty_v[1, pl.ds(j * _LANES, _LANES)] - t0[j] for j in range(_JJ)]
    pe_copy.wait()

    outs = []
    for b in range(_BATCH):
        gathers[b].wait()

        def body(r, _, b=b):
            i = b * _S_PER_W + r
            ttv = ttv_v[i, pl.ds(0, _LANES)]
            for j in range(_JJ):
                c = j * _LANES
                we_v[i, pl.ds(c, _LANES)] = (
                    we_v[i, pl.ds(c, _LANES)] + pe_v[r, pl.ds(c, _LANES)]
                    + (t0[j] + ttv * td[j])
                )
            return _

        lax.fori_loop(0, _S_PER_W, body, None)
        outs.append(pltpu.async_copy(
            we_v.at[pl.ds(b * _S_PER_W, _S_PER_W)],
            out_hbm.at[pl.ds(b * _MAX_LEN + s0, _S_PER_W)],
            out_sem))
    for o in outs:
        o.wait()


@jax.jit
def _embedding_sum(ids, tt, word_emb, pos_emb, type_emb):
    mesh = plsc.VectorSubcoreMesh(core_axis_name="c", subcore_axis_name="s")
    kfn = functools.partial(
        pl.kernel,
        mesh=mesh,
        out_type=jax.ShapeDtypeStruct((_BATCH * _MAX_LEN, _HIDDEN), jnp.float32),
        scratch_types=[
            pltpu.VMEM((_BATCH, _S_PER_W), jnp.int32),
            pltpu.VMEM((_BATCH, _S_PER_W), jnp.int32),
            pltpu.VMEM((_TOK_PER_W, _LANES), jnp.float32),
            pltpu.VMEM((_TOK_PER_W, _HIDDEN), jnp.float32),
            pltpu.VMEM((_S_PER_W, _HIDDEN), jnp.float32),
            pltpu.VMEM((2, _HIDDEN), jnp.float32),
            pltpu.SemaphoreType.DMA((_BATCH,)),
            pltpu.SemaphoreType.DMA((_BATCH,)),
            pltpu.SemaphoreType.DMA,
            pltpu.SemaphoreType.DMA,
            pltpu.SemaphoreType.DMA,
            pltpu.SemaphoreType.DMA,
        ],
    )(_emb_kernel)
    return kfn(ids, tt, word_emb, pos_emb, type_emb)


def kernel(input_ids, token_type_ids, word_emb, pos_emb, type_emb):
    b, s = input_ids.shape
    out = _embedding_sum(input_ids.astype(jnp.int32),
                         token_type_ids.astype(jnp.int32),
                         word_emb, pos_emb, type_emb)
    return out.reshape(b, s, _HIDDEN)

# --- scband reference (transcript-rebuilt; emitter-appended) ---
"""Pipeline reference for scband-embedding-21552145891883 (READ-ONLY COPY).

The authoritative reference and input builder live on the scoring server;
editing this copy changes nothing except your own understanding.
"""

import jax, jax.numpy as jnp
import numpy as np

VOCAB = 100000
HIDDEN = 128
MAX_LEN = 2048
BATCH = 4
SEQ = 2048

def setup_inputs(seed: int = 0) -> dict:
    key = jax.random.key(seed)
    k1, k2, k3, k4, k5 = jax.random.split(key, 5)
    input_ids = jax.random.randint(k1, (BATCH, SEQ), 0, VOCAB, dtype=jnp.int64 if jax.config.jax_enable_x64 else jnp.int32)
    token_type_ids = jax.random.randint(k2, (BATCH, SEQ), 0, 2, dtype=jnp.int64 if jax.config.jax_enable_x64 else jnp.int32)
    word_emb = jax.random.normal(k3, (VOCAB, HIDDEN), dtype=jnp.float32) * 0.02
    pos_emb = jax.random.normal(k4, (MAX_LEN, HIDDEN), dtype=jnp.float32) * 0.02
    type_emb = jax.random.normal(k5, (2, HIDDEN), dtype=jnp.float32) * 0.02
    return {"input_ids": input_ids, "token_type_ids": token_type_ids, "word_emb": word_emb, "pos_emb": pos_emb, "type_emb": type_emb}

def reference(input_ids, token_type_ids, word_emb, pos_emb, type_emb):
    seq_length = input_ids.shape[1]
    position_ids = jnp.arange(seq_length)
    we = jnp.take(word_emb, input_ids, axis=0)          # [B, S, H]
    pe = jnp.take(pos_emb, position_ids, axis=0)        # [S, H]
    te = jnp.take(type_emb, token_type_ids, axis=0)     # [B, S, H]
    return we + pe[None, :, :] + te

if __name__ == "__main__":
    import jax
    _d = setup_inputs()
    print(jax.jit(kernel)(*tuple(_d.values())))

</pallas_src>

<mosaic_0001>
#map = affine_map<(d0, d1) -> (0, 0)>
module attributes {stable_mosaic.version = 14 : i64} {
  func.func @_emb_kernel(%arg0: i32, %arg1: i32, %arg2: memref<4x2048xi32, #tpu.memory_space<hbm>>, %arg3: memref<4x2048xi32, #tpu.memory_space<hbm>>, %arg4: memref<100000x128xf32, #tpu.memory_space<hbm>>, %arg5: memref<2048x128xf32, #tpu.memory_space<hbm>>, %arg6: memref<2x128xf32, #tpu.memory_space<hbm>>, %arg7: memref<8192x128xf32, #tpu.memory_space<hbm>>, %arg8: memref<4x64xi32, #tpu.memory_space<vmem>>, %arg9: memref<4x64xi32, #tpu.memory_space<vmem>>, %arg10: memref<256x16xf32, #tpu.memory_space<vmem>>, %arg11: memref<256x128xf32, #tpu.memory_space<vmem>>, %arg12: memref<64x128xf32, #tpu.memory_space<vmem>>, %arg13: memref<2x128xf32, #tpu.memory_space<vmem>>, %arg14: memref<4x!tpu.dma_semaphore, #tpu.memory_space<semaphore_mem>>, %arg15: memref<4x!tpu.dma_semaphore, #tpu.memory_space<semaphore_mem>>, %arg16: memref<!tpu.dma_semaphore, #tpu.memory_space<semaphore_mem>>, %arg17: memref<!tpu.dma_semaphore, #tpu.memory_space<semaphore_mem>>, %arg18: memref<!tpu.dma_semaphore, #tpu.memory_space<semaphore_mem>>, %arg19: memref<!tpu.dma_semaphore, #tpu.memory_space<semaphore_mem>>) attributes {dimension_semantics = [#tpu.dimension_semantics<core_parallel>, #tpu.dimension_semantics<subcore_parallel>], iteration_bounds = array<i64: 2, 16>, scalar_prefetch = 0 : i64, scratch_operands = 12 : i64, tpu.core_type = #tpu.core_type<sc_vector_subcore>, window_params = [{transform_indices = #map}, {transform_indices = #map}, {transform_indices = #map}, {transform_indices = #map}, {transform_indices = #map}, {transform_indices = #map}]} {
    %mul3A = arith.constant 2 : i32
    %mul3A_0 = arith.muli %arg1, %mul3A : i32
    %add3A = arith.addi %mul3A_0, %arg0 : i32
    %mul3A_1 = arith.constant 64 : i32
    %mul3A_2 = arith.muli %add3A, %mul3A_1 : i32
    %dma_start3A = arith.constant 0 : i32
    %dma_start3A_3 = arith.constant 0 : i32
    %dma_start3A_4 = arith.constant 0 : i32
    %dma_start3A_5 = arith.constant 0 : i32
    %dma_start3A_6 = tpu.memref_slice %arg8[%dma_start3A_3, %dma_start3A_5] : memref<4x64xi32, #tpu.memory_space<vmem>> -> memref<1x64xi32, #tpu.memory_space<vmem>>
    %dma_start3A_7 = tpu.memref_squeeze %dma_start3A_6 : memref<1x64xi32, #tpu.memory_space<vmem>> -> memref<64xi32, #tpu.memory_space<vmem>>
    %dma_start3A_8 = tpu.memref_slice %arg2[%dma_start3A, %mul3A_2] : memref<4x2048xi32, #tpu.memory_space<hbm>> -> memref<1x64xi32, #tpu.memory_space<hbm>>
    %dma_start3A_9 = tpu.memref_squeeze %dma_start3A_8 : memref<1x64xi32, #tpu.memory_space<hbm>> -> memref<64xi32, #tpu.memory_space<hbm>>
    %dma_start3A_10 = tpu.memref_slice %arg15[%dma_start3A_4] : memref<4x!tpu.dma_semaphore, #tpu.memory_space<semaphore_mem>> -> memref<1x!tpu.dma_semaphore, #tpu.memory_space<semaphore_mem>>
    %dma_start3A_11 = tpu.memref_squeeze %dma_start3A_10 : memref<1x!tpu.dma_semaphore, #tpu.memory_space<semaphore_mem>> -> memref<!tpu.dma_semaphore, #tpu.memory_space<semaphore_mem>>
    %dma_start3A_12 = arith.constant 0 : i32
    %dma_start3A_13 = tpu.memref_slice %arg8[%dma_start3A_3, %dma_start3A_12] : memref<4x64xi32, #tpu.memory_space<vmem>> -> memref<1x64xi32, #tpu.memory_space<vmem>>
    %dma_start3A_14 = tpu.memref_squeeze %dma_start3A_13 : memref<1x64xi32, #tpu.memory_space<vmem>> -> memref<64xi32, #tpu.memory_space<vmem>>
    %dma_start3A_15 = tpu.memref_slice %arg2[%dma_start3A, %mul3A_2] : memref<4x2048xi32, #tpu.memory_space<hbm>> -> memref<1x64xi32, #tpu.memory_space<hbm>>
    %dma_start3A_16 = tpu.memref_squeeze %dma_start3A_15 : memref<1x64xi32, #tpu.memory_space<hbm>> -> memref<64xi32, #tpu.memory_space<hbm>>
    tpu.enqueue_dma source(%dma_start3A_16 : memref<64xi32, #tpu.memory_space<hbm>>) target(%dma_start3A_14 : memref<64xi32, #tpu.memory_space<vmem>>) target_semaphore(%dma_start3A_11 : memref<!tpu.dma_semaphore, #tpu.memory_space<semaphore_mem>>)
    %dma_start3A_17 = arith.constant 1 : i32
    %dma_start3A_18 = arith.constant 1 : i32
    %dma_start3A_19 = arith.constant 1 : i32
    %dma_start3A_20 = arith.constant 0 : i32
    %dma_start3A_21 = tpu.memref_slice %arg8[%dma_start3A_18, %dma_start3A_20] : memref<4x64xi32, #tpu.memory_space<vmem>> -> memref<1x64xi32, #tpu.memory_space<vmem>>
    %dma_start3A_22 = tpu.memref_squeeze %dma_start3A_21 : memref<1x64xi32, #tpu.memory_space<vmem>> -> memref<64xi32, #tpu.memory_space<vmem>>
    %dma_start3A_23 = tpu.memref_slice %arg2[%dma_start3A_17, %mul3A_2] : memref<4x2048xi32, #tpu.memory_space<hbm>> -> memref<1x64xi32, #tpu.memory_space<hbm>>
    %dma_start3A_24 = tpu.memref_squeeze %dma_start3A_23 : memref<1x64xi32, #tpu.memory_space<hbm>> -> memref<64xi32, #tpu.memory_space<hbm>>
    %dma_start3A_25 = tpu.memref_slice %arg15[%dma_start3A_19] : memref<4x!tpu.dma_semaphore, #tpu.memory_space<semaphore_mem>> -> memref<1x!tpu.dma_semaphore, #tpu.memory_space<semaphore_mem>>
    %dma_start3A_26 = tpu.memref_squeeze %dma_start3A_25 : memref<1x!tpu.dma_semaphore, #tpu.memory_space<semaphore_mem>> -> memref<!tpu.dma_semaphore, #tpu.memory_space<semaphore_mem>>
    %dma_start3A_27 = arith.constant 0 : i32
    %dma_start3A_28 = tpu.memref_slice %arg8[%dma_start3A_18, %dma_start3A_27] : memref<4x64xi32, #tpu.memory_space<vmem>> -> memref<1x64xi32, #tpu.memory_space<vmem>>
    %dma_start3A_29 = tpu.memref_squeeze %dma_start3A_28 : memref<1x64xi32, #tpu.memory_space<vmem>> -> memref<64xi32, #tpu.memory_space<vmem>>
    %dma_start3A_30 = tpu.memref_slice %arg2[%dma_start3A_17, %mul3A_2] : memref<4x2048xi32, #tpu.memory_space<hbm>> -> memref<1x64xi32, #tpu.memory_space<hbm>>
    %dma_start3A_31 = tpu.memref_squeeze %dma_start3A_30 : memref<1x64xi32, #tpu.memory_space<hbm>> -> memref<64xi32, #tpu.memory_space<hbm>>
    tpu.enqueue_dma source(%dma_start3A_31 : memref<64xi32, #tpu.memory_space<hbm>>) target(%dma_start3A_29 : memref<64xi32, #tpu.memory_space<vmem>>) target_semaphore(%dma_start3A_26 : memref<!tpu.dma_semaphore, #tpu.memory_space<semaphore_mem>>)
    %dma_start3A_32 = arith.constant 2 : i32
    %dma_start3A_33 = arith.constant 2 : i32
    %dma_start3A_34 = arith.constant 2 : i32
    %dma_start3A_35 = arith.constant 0 : i32
    %dma_start3A_36 = tpu.memref_slice %arg8[%dma_start3A_33, %dma_start3A_35] : memref<4x64xi32, #tpu.memory_space<vmem>> -> memref<1x64xi32, #tpu.memory_space<vmem>>
    %dma_start3A_37 = tpu.memref_squeeze %dma_start3A_36 : memref<1x64xi32, #tpu.memory_space<vmem>> -> memref<64xi32, #tpu.memory_space<vmem>>
    %dma_start3A_38 = tpu.memref_slice %arg2[%dma_start3A_32, %mul3A_2] : memref<4x2048xi32, #tpu.memory_space<hbm>> -> memref<1x64xi32, #tpu.memory_space<hbm>>
    %dma_start3A_39 = tpu.memref_squeeze %dma_start3A_38 : memref<1x64xi32, #tpu.memory_space<hbm>> -> memref<64xi32, #tpu.memory_space<hbm>>
    %dma_start3A_40 = tpu.memref_slice %arg15[%dma_start3A_34] : memref<4x!tpu.dma_semaphore, #tpu.memory_space<semaphore_mem>> -> memref<1x!tpu.dma_semaphore, #tpu.memory_space<semaphore_mem>>
    %dma_start3A_41 = tpu.memref_squeeze %dma_start3A_40 : memref<1x!tpu.dma_semaphore, #tpu.memory_space<semaphore_mem>> -> memref<!tpu.dma_semaphore, #tpu.memory_space<semaphore_mem>>
    %dma_start3A_42 = arith.constant 0 : i32
    %dma_start3A_43 = tpu.memref_slice %arg8[%dma_start3A_33, %dma_start3A_42] : memref<4x64xi32, #tpu.memory_space<vmem>> -> memref<1x64xi32, #tpu.memory_space<vmem>>
    %dma_start3A_44 = tpu.memref_squeeze %dma_start3A_43 : memref<1x64xi32, #tpu.memory_space<vmem>> -> memref<64xi32, #tpu.memory_space<vmem>>
    %dma_start3A_45 = tpu.memref_slice %arg2[%dma_start3A_32, %mul3A_2] : memref<4x2048xi32, #tpu.memory_space<hbm>> -> memref<1x64xi32, #tpu.memory_space<hbm>>
    %dma_start3A_46 = tpu.memref_squeeze %dma_start3A_45 : memref<1x64xi32, #tpu.memory_space<hbm>> -> memref<64xi32, #tpu.memory_space<hbm>>
    tpu.enqueue_dma source(%dma_start3A_46 : memref<64xi32, #tpu.memory_space<hbm>>) target(%dma_start3A_44 : memref<64xi32, #tpu.memory_space<vmem>>) target_semaphore(%dma_start3A_41 : memref<!tpu.dma_semaphore, #tpu.memory_space<semaphore_mem>>)
    %dma_start3A_47 = arith.constant 3 : i32
    %dma_start3A_48 = arith.constant 3 : i32
    %dma_start3A_49 = arith.constant 3 : i32
    %dma_start3A_50 = arith.constant 0 : i32
    %dma_start3A_51 = tpu.memref_slice %arg8[%dma_start3A_48, %dma_start3A_50] : memref<4x64xi32, #tpu.memory_space<vmem>> -> memref<1x64xi32, #tpu.memory_space<vmem>>
    %dma_start3A_52 = tpu.memref_squeeze %dma_start3A_51 : memref<1x64xi32, #tpu.memory_space<vmem>> -> memref<64xi32, #tpu.memory_space<vmem>>
    %dma_start3A_53 = tpu.memref_slice %arg2[%dma_start3A_47, %mul3A_2] : memref<4x2048xi32, #tpu.memory_space<hbm>> -> memref<1x64xi32, #tpu.memory_space<hbm>>
    %dma_start3A_54 = tpu.memref_squeeze %dma_start3A_53 : memref<1x64xi32, #tpu.memory_space<hbm>> -> memref<64xi32, #tpu.memory_space<hbm>>
    %dma_start3A_55 = tpu.memref_slice %arg15[%dma_start3A_49] : memref<4x!tpu.dma_semaphore, #tpu.memory_space<semaphore_mem>> -> memref<1x!tpu.dma_semaphore, #tpu.memory_space<semaphore_mem>>
    %dma_start3A_56 = tpu.memref_squeeze %dma_start3A_55 : memref<1x!tpu.dma_semaphore, #tpu.memory_space<semaphore_mem>> -> memref<!tpu.dma_semaphore, #tpu.memory_space<semaphore_mem>>
    %dma_start3A_57 = arith.constant 0 : i32
    %dma_start3A_58 = tpu.memref_slice %arg8[%dma_start3A_48, %dma_start3A_57] : memref<4x64xi32, #tpu.memory_space<vmem>> -> memref<1x64xi32, #tpu.memory_space<vmem>>
    %dma_start3A_59 = tpu.memref_squeeze %dma_start3A_58 : memref<1x64xi32, #tpu.memory_space<vmem>> -> memref<64xi32, #tpu.memory_space<vmem>>
    %dma_start3A_60 = tpu.memref_slice %arg2[%dma_start3A_47, %mul3A_2] : memref<4x2048xi32, #tpu.memory_space<hbm>> -> memref<1x64xi32, #tpu.memory_space<hbm>>
    %dma_start3A_61 = tpu.memref_squeeze %dma_start3A_60 : memref<1x64xi32, #tpu.memory_space<hbm>> -> memref<64xi32, #tpu.memory_space<hbm>>
    tpu.enqueue_dma source(%dma_start3A_61 : memref<64xi32, #tpu.memory_space<hbm>>) target(%dma_start3A_59 : memref<64xi32, #tpu.memory_space<vmem>>) target_semaphore(%dma_start3A_56 : memref<!tpu.dma_semaphore, #tpu.memory_space<semaphore_mem>>)
    %dma_start3A_62 = arith.constant 0 : i32
    %dma_start3A_63 = arith.constant 0 : i32
    %dma_start3A_64 = arith.constant 0 : i32
    %dma_start3A_65 = tpu.memref_slice %arg9[%dma_start3A_63, %dma_start3A_64] : memref<4x64xi32, #tpu.memory_space<vmem>> -> memref<1x64xi32, #tpu.memory_space<vmem>>
    %dma_start3A_66 = tpu.memref_squeeze %dma_start3A_65 : memref<1x64xi32, #tpu.memory_space<vmem>> -> memref<64xi32, #tpu.memory_space<vmem>>
    %dma_start3A_67 = tpu.memref_slice %arg3[%dma_start3A_62, %mul3A_2] : memref<4x2048xi32, #tpu.memory_space<hbm>> -> memref<1x64xi32, #tpu.memory_space<hbm>>
    %dma_start3A_68 = tpu.memref_squeeze %dma_start3A_67 : memref<1x64xi32, #tpu.memory_space<hbm>> -> memref<64xi32, #tpu.memory_space<hbm>>
    %dma_start3A_69 = arith.constant 0 : i32
    %dma_start3A_70 = tpu.memref_slice %arg9[%dma_start3A_63, %dma_start3A_69] : memref<4x64xi32, #tpu.memory_space<vmem>> -> memref<1x64xi32, #tpu.memory_space<vmem>>
    %dma_start3A_71 = tpu.memref_squeeze %dma_start3A_70 : memref<1x64xi32, #tpu.memory_space<vmem>> -> memref<64xi32, #tpu.memory_space<vmem>>
    %dma_start3A_72 = tpu.memref_slice %arg3[%dma_start3A_62, %mul3A_2] : memref<4x2048xi32, #tpu.memory_space<hbm>> -> memref<1x64xi32, #tpu.memory_space<hbm>>
    %dma_start3A_73 = tpu.memref_squeeze %dma_start3A_72 : memref<1x64xi32, #tpu.memory_space<hbm>> -> memref<64xi32, #tpu.memory_space<hbm>>
    tpu.enqueue_dma source(%dma_start3A_73 : memref<64xi32, #tpu.memory_space<hbm>>) target(%dma_start3A_71 : memref<64xi32, #tpu.memory_space<vmem>>) target_semaphore(%arg16 : memref<!tpu.dma_semaphore, #tpu.memory_space<semaphore_mem>>)
    %dma_start3A_74 = arith.constant 1 : i32
    %dma_start3A_75 = arith.constant 1 : i32
    %dma_start3A_76 = arith.constant 0 : i32
    %dma_start3A_77 = tpu.memref_slice %arg9[%dma_start3A_75, %dma_start3A_76] : memref<4x64xi32, #tpu.memory_space<vmem>> -> memref<1x64xi32, #tpu.memory_space<vmem>>
    %dma_start3A_78 = tpu.memref_squeeze %dma_start3A_77 : memref<1x64xi32, #tpu.memory_space<vmem>> -> memref<64xi32, #tpu.memory_space<vmem>>
    %dma_start3A_79 = tpu.memref_slice %arg3[%dma_start3A_74, %mul3A_2] : memref<4x2048xi32, #tpu.memory_space<hbm>> -> memref<1x64xi32, #tpu.memory_space<hbm>>
    %dma_start3A_80 = tpu.memref_squeeze %dma_start3A_79 : memref<1x64xi32, #tpu.memory_space<hbm>> -> memref<64xi32, #tpu.memory_space<hbm>>
    %dma_start3A_81 = arith.constant 0 : i32
    %dma_start3A_82 = tpu.memref_slice %arg9[%dma_start3A_75, %dma_start3A_81] : memref<4x64xi32, #tpu.memory_space<vmem>> -> memref<1x64xi32, #tpu.memory_space<vmem>>
    %dma_start3A_83 = tpu.memref_squeeze %dma_start3A_82 : memref<1x64xi32, #tpu.memory_space<vmem>> -> memref<64xi32, #tpu.memory_space<vmem>>
    %dma_start3A_84 = tpu.memref_slice %arg3[%dma_start3A_74, %mul3A_2] : memref<4x2048xi32, #tpu.memory_space<hbm>> -> memref<1x64xi32, #tpu.memory_space<hbm>>
    %dma_start3A_85 = tpu.memref_squeeze %dma_start3A_84 : memref<1x64xi32, #tpu.memory_space<hbm>> -> memref<64xi32, #tpu.memory_space<hbm>>
    tpu.enqueue_dma source(%dma_start3A_85 : memref<64xi32, #tpu.memory_space<hbm>>) target(%dma_start3A_83 : memref<64xi32, #tpu.memory_space<vmem>>) target_semaphore(%arg16 : memref<!tpu.dma_semaphore, #tpu.memory_space<semaphore_mem>>)
    %dma_start3A_86 = arith.constant 2 : i32
    %dma_start3A_87 = arith.constant 2 : i32
    %dma_start3A_88 = arith.constant 0 : i32
    %dma_start3A_89 = tpu.memref_slice %arg9[%dma_start3A_87, %dma_start3A_88] : memref<4x64xi32, #tpu.memory_space<vmem>> -> memref<1x64xi32, #tpu.memory_space<vmem>>
    %dma_start3A_90 = tpu.memref_squeeze %dma_start3A_89 : memref<1x64xi32, #tpu.memory_space<vmem>> -> memref<64xi32, #tpu.memory_space<vmem>>
    %dma_start3A_91 = tpu.memref_slice %arg3[%dma_start3A_86, %mul3A_2] : memref<4x2048xi32, #tpu.memory_space<hbm>> -> memref<1x64xi32, #tpu.memory_space<hbm>>
    %dma_start3A_92 = tpu.memref_squeeze %dma_start3A_91 : memref<1x64xi32, #tpu.memory_space<hbm>> -> memref<64xi32, #tpu.memory_space<hbm>>
    %dma_start3A_93 = arith.constant 0 : i32
    %dma_start3A_94 = tpu.memref_slice %arg9[%dma_start3A_87, %dma_start3A_93] : memref<4x64xi32, #tpu.memory_space<vmem>> -> memref<1x64xi32, #tpu.memory_space<vmem>>
    %dma_start3A_95 = tpu.memref_squeeze %dma_start3A_94 : memref<1x64xi32, #tpu.memory_space<vmem>> -> memref<64xi32, #tpu.memory_space<vmem>>
    %dma_start3A_96 = tpu.memref_slice %arg3[%dma_start3A_86, %mul3A_2] : memref<4x2048xi32, #tpu.memory_space<hbm>> -> memref<1x64xi32, #tpu.memory_space<hbm>>
    %dma_start3A_97 = tpu.memref_squeeze %dma_start3A_96 : memref<1x64xi32, #tpu.memory_space<hbm>> -> memref<64xi32, #tpu.memory_space<hbm>>
    tpu.enqueue_dma source(%dma_start3A_97 : memref<64xi32, #tpu.memory_space<hbm>>) target(%dma_start3A_95 : memref<64xi32, #tpu.memory_space<vmem>>) target_semaphore(%arg16 : memref<!tpu.dma_semaphore, #tpu.memory_space<semaphore_mem>>)
    %dma_start3A_98 = arith.constant 3 : i32
    %dma_start3A_99 = arith.constant 3 : i32
    %dma_start3A_100 = arith.constant 0 : i32
    %dma_start3A_101 = tpu.memref_slice %arg9[%dma_start3A_99, %dma_start3A_100] : memref<4x64xi32, #tpu.memory_space<vmem>> -> memref<1x64xi32, #tpu.memory_space<vmem>>
    %dma_start3A_102 = tpu.memref_squeeze %dma_start3A_101 : memref<1x64xi32, #tpu.memory_space<vmem>> -> memref<64xi32, #tpu.memory_space<vmem>>
    %dma_start3A_103 = tpu.memref_slice %arg3[%dma_start3A_98, %mul3A_2] : memref<4x2048xi32, #tpu.memory_space<hbm>> -> memref<1x64xi32, #tpu.memory_space<hbm>>
    %dma_start3A_104 = tpu.memref_squeeze %dma_start3A_103 : memref<1x64xi32, #tpu.memory_space<hbm>> -> memref<64xi32, #tpu.memory_space<hbm>>
    %dma_start3A_105 = arith.constant 0 : i32
    %dma_start3A_106 = tpu.memref_slice %arg9[%dma_start3A_99, %dma_start3A_105] : memref<4x64xi32, #tpu.memory_space<vmem>> -> memref<1x64xi32, #tpu.memory_space<vmem>>
    %dma_start3A_107 = tpu.memref_squeeze %dma_start3A_106 : memref<1x64xi32, #tpu.memory_space<vmem>> -> memref<64xi32, #tpu.memory_space<vmem>>
    %dma_start3A_108 = tpu.memref_slice %arg3[%dma_start3A_98, %mul3A_2] : memref<4x2048xi32, #tpu.memory_space<hbm>> -> memref<1x64xi32, #tpu.memory_space<hbm>>
    %dma_start3A_109 = tpu.memref_squeeze %dma_start3A_108 : memref<1x64xi32, #tpu.memory_space<hbm>> -> memref<64xi32, #tpu.memory_space<hbm>>
    tpu.enqueue_dma source(%dma_start3A_109 : memref<64xi32, #tpu.memory_space<hbm>>) target(%dma_start3A_107 : memref<64xi32, #tpu.memory_space<vmem>>) target_semaphore(%arg16 : memref<!tpu.dma_semaphore, #tpu.memory_space<semaphore_mem>>)
    tpu.enqueue_dma source(%arg6 : memref<2x128xf32, #tpu.memory_space<hbm>>) target(%arg13 : memref<2x128xf32, #tpu.memory_space<vmem>>) target_semaphore(%arg17 : memref<!tpu.dma_semaphore, #tpu.memory_space<semaphore_mem>>)
    %dma_start3A_110 = arith.constant 0 : i32
    %dma_start3A_111 = tpu.memref_slice %arg5[%mul3A_2, %dma_start3A_110] : memref<2048x128xf32, #tpu.memory_space<hbm>> -> memref<64x128xf32, #tpu.memory_space<hbm>>
    %dma_start3A_112 = arith.constant 0 : i32
    %dma_start3A_113 = tpu.memref_slice %arg5[%mul3A_2, %dma_start3A_112] : memref<2048x128xf32, #tpu.memory_space<hbm>> -> memref<64x128xf32, #tpu.memory_space<hbm>>
    tpu.enqueue_dma source(%dma_start3A_113 : memref<64x128xf32, #tpu.memory_space<hbm>>) target(%arg12 : memref<64x128xf32, #tpu.memory_space<vmem>>) target_semaphore(%arg18 : memref<!tpu.dma_semaphore, #tpu.memory_space<semaphore_mem>>)
    %dma_wait3A = arith.constant 0 : i32
    %dma_wait3A_114 = arith.constant 0 : i32
    %dma_wait3A_115 = arith.constant 0 : i32
    %dma_wait3A_116 = arith.constant 0 : i32
    %dma_wait3A_117 = tpu.memref_slice %arg8[%dma_wait3A_114, %dma_wait3A_116] : memref<4x64xi32, #tpu.memory_space<vmem>> -> memref<1x64xi32, #tpu.memory_space<vmem>>
    %dma_wait3A_118 = tpu.memref_squeeze %dma_wait3A_117 : memref<1x64xi32, #tpu.memory_space<vmem>> -> memref<64xi32, #tpu.memory_space<vmem>>
    %dma_wait3A_119 = tpu.memref_slice %arg2[%dma_wait3A, %mul3A_2] : memref<4x2048xi32, #tpu.memory_space<hbm>> -> memref<1x64xi32, #tpu.memory_space<hbm>>
    %dma_wait3A_120 = tpu.memref_squeeze %dma_wait3A_119 : memref<1x64xi32, #tpu.memory_space<hbm>> -> memref<64xi32, #tpu.memory_space<hbm>>
    %dma_wait3A_121 = tpu.memref_slice %arg15[%dma_wait3A_115] : memref<4x!tpu.dma_semaphore, #tpu.memory_space<semaphore_mem>> -> memref<1x!tpu.dma_semaphore, #tpu.memory_space<semaphore_mem>>
    %dma_wait3A_122 = tpu.memref_squeeze %dma_wait3A_121 : memref<1x!tpu.dma_semaphore, #tpu.memory_space<semaphore_mem>> -> memref<!tpu.dma_semaphore, #tpu.memory_space<semaphore_mem>>
    %dma_wait3A_123 = arith.constant 0 : i32
    %dma_wait3A_124 = tpu.memref_slice %arg8[%dma_wait3A_114, %dma_wait3A_123] : memref<4x64xi32, #tpu.memory_space<vmem>> -> memref<1x64xi32, #tpu.memory_space<vmem>>
    %dma_wait3A_125 = tpu.memref_squeeze %dma_wait3A_124 : memref<1x64xi32, #tpu.memory_space<vmem>> -> memref<64xi32, #tpu.memory_space<vmem>>
    %dma_wait3A_126 = tpu.memref_slice %arg2[%dma_wait3A, %mul3A_2] : memref<4x2048xi32, #tpu.memory_space<hbm>> -> memref<1x64xi32, #tpu.memory_space<hbm>>
    %dma_wait3A_127 = tpu.memref_squeeze %dma_wait3A_126 : memref<1x64xi32, #tpu.memory_space<hbm>> -> memref<64xi32, #tpu.memory_space<hbm>>
    tpu.wait_dma2 semaphore(%dma_wait3A_122 : memref<!tpu.dma_semaphore, #tpu.memory_space<semaphore_mem>>) src(%dma_wait3A_127 : memref<64xi32, #tpu.memory_space<hbm>>) dst(%dma_wait3A_125 : memref<64xi32, #tpu.memory_space<vmem>>)
    %dma_start3A_128 = arith.constant 0 : i32
    %dma_start3A_129 = arith.constant 0 : i32
    %dma_start3A_130 = arith.constant 0 : i32
    %dma_start3A_131 = arith.constant 0 : i32
    %dma_start3A_132 = tpu.memref_slice %arg11[%dma_start3A_130, %dma_start3A_131] : memref<256x128xf32, #tpu.memory_space<vmem>> -> memref<64x128xf32, #tpu.memory_space<vmem>>
    %dma_start3A_133 = arith.constant 0 : i32
    %dma_start3A_134 = tpu.memref_slice %arg8[%dma_start3A_128, %dma_start3A_133] : memref<4x64xi32, #tpu.memory_space<vmem>> -> memref<1x64xi32, #tpu.memory_space<vmem>>
    %dma_start3A_135 = tpu.memref_squeeze %dma_start3A_134 : memref<1x64xi32, #tpu.memory_space<vmem>> -> memref<64xi32, #tpu.memory_space<vmem>>
    %dma_start3A_136 = arith.constant 0 : i32
    %dma_start3A_137 = arith.constant 0 : i32
    %dma_start3A_138 = tpu.memref_slice %arg4[%dma_start3A_136, %dma_start3A_137] : memref<100000x128xf32, #tpu.memory_space<hbm>> -> memref<100000x128xf32, #tpu.memory_space<hbm>>
    %dma_start3A_139 = tpu.memref_slice %arg14[%dma_start3A_129] : memref<4x!tpu.dma_semaphore, #tpu.memory_space<semaphore_mem>> -> memref<1x!tpu.dma_semaphore, #tpu.memory_space<semaphore_mem>>
    %dma_start3A_140 = tpu.memref_squeeze %dma_start3A_139 : memref<1x!tpu.dma_semaphore, #tpu.memory_space<semaphore_mem>> -> memref<!tpu.dma_semaphore, #tpu.memory_space<semaphore_mem>>
    tpu.enqueue_indirect_dma source(%dma_start3A_138 : memref<100000x128xf32, #tpu.memory_space<hbm>>) target(%dma_start3A_132 : memref<64x128xf32, #tpu.memory_space<vmem>>) offsets(%dma_start3A_135 : memref<64xi32, #tpu.memory_space<vmem>>) semaphore(%dma_start3A_140 : memref<!tpu.dma_semaphore, #tpu.memory_space<semaphore_mem>>)
    %dma_wait3A_141 = arith.constant 1 : i32
    %dma_wait3A_142 = arith.constant 1 : i32
    %dma_wait3A_143 = arith.constant 1 : i32
    %dma_wait3A_144 = arith.constant 0 : i32
    %dma_wait3A_145 = tpu.memref_slice %arg8[%dma_wait3A_142, %dma_wait3A_144] : memref<4x64xi32, #tpu.memory_space<vmem>> -> memref<1x64xi32, #tpu.memory_space<vmem>>
    %dma_wait3A_146 = tpu.memref_squeeze %dma_wait3A_145 : memref<1x64xi32, #tpu.memory_space<vmem>> -> memref<64xi32, #tpu.memory_space<vmem>>
    %dma_wait3A_147 = tpu.memref_slice %arg2[%dma_wait3A_141, %mul3A_2] : memref<4x2048xi32, #tpu.memory_space<hbm>> -> memref<1x64xi32, #tpu.memory_space<hbm>>
    %dma_wait3A_148 = tpu.memref_squeeze %dma_wait3A_147 : memref<1x64xi32, #tpu.memory_space<hbm>> -> memref<64xi32, #tpu.memory_space<hbm>>
    %dma_wait3A_149 = tpu.memref_slice %arg15[%dma_wait3A_143] : memref<4x!tpu.dma_semaphore, #tpu.memory_space<semaphore_mem>> -> memref<1x!tpu.dma_semaphore, #tpu.memory_space<semaphore_mem>>
    %dma_wait3A_150 = tpu.memref_squeeze %dma_wait3A_149 : memref<1x!tpu.dma_semaphore, #tpu.memory_space<semaphore_mem>> -> memref<!tpu.dma_semaphore, #tpu.memory_space<semaphore_mem>>
    %dma_wait3A_151 = arith.constant 0 : i32
    %dma_wait3A_152 = tpu.memref_slice %arg8[%dma_wait3A_142, %dma_wait3A_151] : memref<4x64xi32, #tpu.memory_space<vmem>> -> memref<1x64xi32, #tpu.memory_space<vmem>>
    %dma_wait3A_153 = tpu.memref_squeeze %dma_wait3A_152 : memref<1x64xi32, #tpu.memory_space<vmem>> -> memref<64xi32, #tpu.memory_space<vmem>>
    %dma_wait3A_154 = tpu.memref_slice %arg2[%dma_wait3A_141, %mul3A_2] : memref<4x2048xi32, #tpu.memory_space<hbm>> -> memref<1x64xi32, #tpu.memory_space<hbm>>
    %dma_wait3A_155 = tpu.memref_squeeze %dma_wait3A_154 : memref<1x64xi32, #tpu.memory_space<hbm>> -> memref<64xi32, #tpu.memory_space<hbm>>
    tpu.wait_dma2 semaphore(%dma_wait3A_150 : memref<!tpu.dma_semaphore, #tpu.memory_space<semaphore_mem>>) src(%dma_wait3A_155 : memref<64xi32, #tpu.memory_space<hbm>>) dst(%dma_wait3A_153 : memref<64xi32, #tpu.memory_space<vmem>>)
    %dma_start3A_156 = arith.constant 1 : i32
    %dma_start3A_157 = arith.constant 1 : i32
    %dma_start3A_158 = arith.constant 64 : i32
    %dma_start3A_159 = arith.constant 0 : i32
    %dma_start3A_160 = tpu.memref_slice %arg11[%dma_start3A_158, %dma_start3A_159] : memref<256x128xf32, #tpu.memory_space<vmem>> -> memref<64x128xf32, #tpu.memory_space<vmem>>
    %dma_start3A_161 = arith.constant 0 : i32
    %dma_start3A_162 = tpu.memref_slice %arg8[%dma_start3A_156, %dma_start3A_161] : memref<4x64xi32, #tpu.memory_space<vmem>> -> memref<1x64xi32, #tpu.memory_space<vmem>>
    %dma_start3A_163 = tpu.memref_squeeze %dma_start3A_162 : memref<1x64xi32, #tpu.memory_space<vmem>> -> memref<64xi32, #tpu.memory_space<vmem>>
    %dma_start3A_164 = arith.constant 0 : i32
    %dma_start3A_165 = arith.constant 0 : i32
    %dma_start3A_166 = tpu.memref_slice %arg4[%dma_start3A_164, %dma_start3A_165] : memref<100000x128xf32, #tpu.memory_space<hbm>> -> memref<100000x128xf32, #tpu.memory_space<hbm>>
    %dma_start3A_167 = tpu.memref_slice %arg14[%dma_start3A_157] : memref<4x!tpu.dma_semaphore, #tpu.memory_space<semaphore_mem>> -> memref<1x!tpu.dma_semaphore, #tpu.memory_space<semaphore_mem>>
    %dma_start3A_168 = tpu.memref_squeeze %dma_start3A_167 : memref<1x!tpu.dma_semaphore, #tpu.memory_space<semaphore_mem>> -> memref<!tpu.dma_semaphore, #tpu.memory_space<semaphore_mem>>
    tpu.enqueue_indirect_dma source(%dma_start3A_166 : memref<100000x128xf32, #tpu.memory_space<hbm>>) target(%dma_start3A_160 : memref<64x128xf32, #tpu.memory_space<vmem>>) offsets(%dma_start3A_163 : memref<64xi32, #tpu.memory_space<vmem>>) semaphore(%dma_start3A_168 : memref<!tpu.dma_semaphore, #tpu.memory_space<semaphore_mem>>)
    %dma_wait3A_169 = arith.constant 2 : i32
    %dma_wait3A_170 = arith.constant 2 : i32
    %dma_wait3A_171 = arith.constant 2 : i32
    %dma_wait3A_172 = arith.constant 0 : i32
    %dma_wait3A_173 = tpu.memref_slice %arg8[%dma_wait3A_170, %dma_wait3A_172] : memref<4x64xi32, #tpu.memory_space<vmem>> -> memref<1x64xi32, #tpu.memory_space<vmem>>
    %dma_wait3A_174 = tpu.memref_squeeze %dma_wait3A_173 : memref<1x64xi32, #tpu.memory_space<vmem>> -> memref<64xi32, #tpu.memory_space<vmem>>
    %dma_wait3A_175 = tpu.memref_slice %arg2[%dma_wait3A_169, %mul3A_2] : memref<4x2048xi32, #tpu.memory_space<hbm>> -> memref<1x64xi32, #tpu.memory_space<hbm>>
    %dma_wait3A_176 = tpu.memref_squeeze %dma_wait3A_175 : memref<1x64xi32, #tpu.memory_space<hbm>> -> memref<64xi32, #tpu.memory_space<hbm>>
    %dma_wait3A_177 = tpu.memref_slice %arg15[%dma_wait3A_171] : memref<4x!tpu.dma_semaphore, #tpu.memory_space<semaphore_mem>> -> memref<1x!tpu.dma_semaphore, #tpu.memory_space<semaphore_mem>>
    %dma_wait3A_178 = tpu.memref_squeeze %dma_wait3A_177 : memref<1x!tpu.dma_semaphore, #tpu.memory_space<semaphore_mem>> -> memref<!tpu.dma_semaphore, #tpu.memory_space<semaphore_mem>>
    %dma_wait3A_179 = arith.constant 0 : i32
    %dma_wait3A_180 = tpu.memref_slice %arg8[%dma_wait3A_170, %dma_wait3A_179] : memref<4x64xi32, #tpu.memory_space<vmem>> -> memref<1x64xi32, #tpu.memory_space<vmem>>
    %dma_wait3A_181 = tpu.memref_squeeze %dma_wait3A_180 : memref<1x64xi32, #tpu.memory_space<vmem>> -> memref<64xi32, #tpu.memory_space<vmem>>
    %dma_wait3A_182 = tpu.memref_slice %arg2[%dma_wait3A_169, %mul3A_2] : memref<4x2048xi32, #tpu.memory_space<hbm>> -> memref<1x64xi32, #tpu.memory_space<hbm>>
    %dma_wait3A_183 = tpu.memref_squeeze %dma_wait3A_182 : memref<1x64xi32, #tpu.memory_space<hbm>> -> memref<64xi32, #tpu.memory_space<hbm>>
    tpu.wait_dma2 semaphore(%dma_wait3A_178 : memref<!tpu.dma_semaphore, #tpu.memory_space<semaphore_mem>>) src(%dma_wait3A_183 : memref<64xi32, #tpu.memory_space<hbm>>) dst(%dma_wait3A_181 : memref<64xi32, #tpu.memory_space<vmem>>)
    %dma_start3A_184 = arith.constant 2 : i32
    %dma_start3A_185 = arith.constant 2 : i32
    %dma_start3A_186 = arith.constant 128 : i32
    %dma_start3A_187 = arith.constant 0 : i32
    %dma_start3A_188 = tpu.memref_slice %arg11[%dma_start3A_186, %dma_start3A_187] : memref<256x128xf32, #tpu.memory_space<vmem>> -> memref<64x128xf32, #tpu.memory_space<vmem>>
    %dma_start3A_189 = arith.constant 0 : i32
    %dma_start3A_190 = tpu.memref_slice %arg8[%dma_start3A_184, %dma_start3A_189] : memref<4x64xi32, #tpu.memory_space<vmem>> -> memref<1x64xi32, #tpu.memory_space<vmem>>
    %dma_start3A_191 = tpu.memref_squeeze %dma_start3A_190 : memref<1x64xi32, #tpu.memory_space<vmem>> -> memref<64xi32, #tpu.memory_space<vmem>>
    %dma_start3A_192 = arith.constant 0 : i32
    %dma_start3A_193 = arith.constant 0 : i32
    %dma_start3A_194 = tpu.memref_slice %arg4[%dma_start3A_192, %dma_start3A_193] : memref<100000x128xf32, #tpu.memory_space<hbm>> -> memref<100000x128xf32, #tpu.memory_space<hbm>>
    %dma_start3A_195 = tpu.memref_slice %arg14[%dma_start3A_185] : memref<4x!tpu.dma_semaphore, #tpu.memory_space<semaphore_mem>> -> memref<1x!tpu.dma_semaphore, #tpu.memory_space<semaphore_mem>>
    %dma_start3A_196 = tpu.memref_squeeze %dma_start3A_195 : memref<1x!tpu.dma_semaphore, #tpu.memory_space<semaphore_mem>> -> memref<!tpu.dma_semaphore, #tpu.memory_space<semaphore_mem>>
    tpu.enqueue_indirect_dma source(%dma_start3A_194 : memref<100000x128xf32, #tpu.memory_space<hbm>>) target(%dma_start3A_188 : memref<64x128xf32, #tpu.memory_space<vmem>>) offsets(%dma_start3A_191 : memref<64xi32, #tpu.memory_space<vmem>>) semaphore(%dma_start3A_196 : memref<!tpu.dma_semaphore, #tpu.memory_space<semaphore_mem>>)
    %dma_wait3A_197 = arith.constant 3 : i32
    %dma_wait3A_198 = arith.constant 3 : i32
    %dma_wait3A_199 = arith.constant 3 : i32
    %dma_wait3A_200 = arith.constant 0 : i32
    %dma_wait3A_201 = tpu.memref_slice %arg8[%dma_wait3A_198, %dma_wait3A_200] : memref<4x64xi32, #tpu.memory_space<vmem>> -> memref<1x64xi32, #tpu.memory_space<vmem>>
    %dma_wait3A_202 = tpu.memref_squeeze %dma_wait3A_201 : memref<1x64xi32, #tpu.memory_space<vmem>> -> memref<64xi32, #tpu.memory_space<vmem>>
    %dma_wait3A_203 = tpu.memref_slice %arg2[%dma_wait3A_197, %mul3A_2] : memref<4x2048xi32, #tpu.memory_space<hbm>> -> memref<1x64xi32, #tpu.memory_space<hbm>>
    %dma_wait3A_204 = tpu.memref_squeeze %dma_wait3A_203 : memref<1x64xi32, #tpu.memory_space<hbm>> -> memref<64xi32, #tpu.memory_space<hbm>>
    %dma_wait3A_205 = tpu.memref_slice %arg15[%dma_wait3A_199] : memref<4x!tpu.dma_semaphore, #tpu.memory_space<semaphore_mem>> -> memref<1x!tpu.dma_semaphore, #tpu.memory_space<semaphore_mem>>
    %dma_wait3A_206 = tpu.memref_squeeze %dma_wait3A_205 : memref<1x!tpu.dma_semaphore, #tpu.memory_space<semaphore_mem>> -> memref<!tpu.dma_semaphore, #tpu.memory_space<semaphore_mem>>
    %dma_wait3A_207 = arith.constant 0 : i32
    %dma_wait3A_208 = tpu.memref_slice %arg8[%dma_wait3A_198, %dma_wait3A_207] : memref<4x64xi32, #tpu.memory_space<vmem>> -> memref<1x64xi32, #tpu.memory_space<vmem>>
    %dma_wait3A_209 = tpu.memref_squeeze %dma_wait3A_208 : memref<1x64xi32, #tpu.memory_space<vmem>> -> memref<64xi32, #tpu.memory_space<vmem>>
    %dma_wait3A_210 = tpu.memref_slice %arg2[%dma_wait3A_197, %mul3A_2] : memref<4x2048xi32, #tpu.memory_space<hbm>> -> memref<1x64xi32, #tpu.memory_space<hbm>>
    %dma_wait3A_211 = tpu.memref_squeeze %dma_wait3A_210 : memref<1x64xi32, #tpu.memory_space<hbm>> -> memref<64xi32, #tpu.memory_space<hbm>>
    tpu.wait_dma2 semaphore(%dma_wait3A_206 : memref<!tpu.dma_semaphore, #tpu.memory_space<semaphore_mem>>) src(%dma_wait3A_211 : memref<64xi32, #tpu.memory_space<hbm>>) dst(%dma_wait3A_209 : memref<64xi32, #tpu.memory_space<vmem>>)
    %dma_start3A_212 = arith.constant 3 : i32
    %dma_start3A_213 = arith.constant 3 : i32
    %dma_start3A_214 = arith.constant 192 : i32
    %dma_start3A_215 = arith.constant 0 : i32
    %dma_start3A_216 = tpu.memref_slice %arg11[%dma_start3A_214, %dma_start3A_215] : memref<256x128xf32, #tpu.memory_space<vmem>> -> memref<64x128xf32, #tpu.memory_space<vmem>>
    %dma_start3A_217 = arith.constant 0 : i32
    %dma_start3A_218 = tpu.memref_slice %arg8[%dma_start3A_212, %dma_start3A_217] : memref<4x64xi32, #tpu.memory_space<vmem>> -> memref<1x64xi32, #tpu.memory_space<vmem>>
    %dma_start3A_219 = tpu.memref_squeeze %dma_start3A_218 : memref<1x64xi32, #tpu.memory_space<vmem>> -> memref<64xi32, #tpu.memory_space<vmem>>
    %dma_start3A_220 = arith.constant 0 : i32
    %dma_start3A_221 = arith.constant 0 : i32
    %dma_start3A_222 = tpu.memref_slice %arg4[%dma_start3A_220, %dma_start3A_221] : memref<100000x128xf32, #tpu.memory_space<hbm>> -> memref<100000x128xf32, #tpu.memory_space<hbm>>
    %dma_start3A_223 = tpu.memref_slice %arg14[%dma_start3A_213] : memref<4x!tpu.dma_semaphore, #tpu.memory_space<semaphore_mem>> -> memref<1x!tpu.dma_semaphore, #tpu.memory_space<semaphore_mem>>
    %dma_start3A_224 = tpu.memref_squeeze %dma_start3A_223 : memref<1x!tpu.dma_semaphore, #tpu.memory_space<semaphore_mem>> -> memref<!tpu.dma_semaphore, #tpu.memory_space<semaphore_mem>>
    tpu.enqueue_indirect_dma source(%dma_start3A_222 : memref<100000x128xf32, #tpu.memory_space<hbm>>) target(%dma_start3A_216 : memref<64x128xf32, #tpu.memory_space<vmem>>) offsets(%dma_start3A_219 : memref<64xi32, #tpu.memory_space<vmem>>) semaphore(%dma_start3A_224 : memref<!tpu.dma_semaphore, #tpu.memory_space<semaphore_mem>>)
    %dma_wait3A_225 = arith.constant 0 : i32
    %dma_wait3A_226 = arith.constant 0 : i32
    %dma_wait3A_227 = arith.constant 0 : i32
    %dma_wait3A_228 = tpu.memref_slice %arg9[%dma_wait3A_226, %dma_wait3A_227] : memref<4x64xi32, #tpu.memory_space<vmem>> -> memref<1x64xi32, #tpu.memory_space<vmem>>
    %dma_wait3A_229 = tpu.memref_squeeze %dma_wait3A_228 : memref<1x64xi32, #tpu.memory_space<vmem>> -> memref<64xi32, #tpu.memory_space<vmem>>
    %dma_wait3A_230 = tpu.memref_slice %arg3[%dma_wait3A_225, %mul3A_2] : memref<4x2048xi32, #tpu.memory_space<hbm>> -> memref<1x64xi32, #tpu.memory_space<hbm>>
    %dma_wait3A_231 = tpu.memref_squeeze %dma_wait3A_230 : memref<1x64xi32, #tpu.memory_space<hbm>> -> memref<64xi32, #tpu.memory_space<hbm>>
    %dma_wait3A_232 = arith.constant 0 : i32
    %dma_wait3A_233 = tpu.memref_slice %arg9[%dma_wait3A_226, %dma_wait3A_232] : memref<4x64xi32, #tpu.memory_space<vmem>> -> memref<1x64xi32, #tpu.memory_space<vmem>>
    %dma_wait3A_234 = tpu.memref_squeeze %dma_wait3A_233 : memref<1x64xi32, #tpu.memory_space<vmem>> -> memref<64xi32, #tpu.memory_space<vmem>>
    %dma_wait3A_235 = tpu.memref_slice %arg3[%dma_wait3A_225, %mul3A_2] : memref<4x2048xi32, #tpu.memory_space<hbm>> -> memref<1x64xi32, #tpu.memory_space<hbm>>
    %dma_wait3A_236 = tpu.memref_squeeze %dma_wait3A_235 : memref<1x64xi32, #tpu.memory_space<hbm>> -> memref<64xi32, #tpu.memory_space<hbm>>
    tpu.wait_dma2 semaphore(%arg16 : memref<!tpu.dma_semaphore, #tpu.memory_space<semaphore_mem>>) src(%dma_wait3A_236 : memref<64xi32, #tpu.memory_space<hbm>>) dst(%dma_wait3A_234 : memref<64xi32, #tpu.memory_space<vmem>>)
    %dma_wait3A_237 = arith.constant 1 : i32
    %dma_wait3A_238 = arith.constant 1 : i32
    %dma_wait3A_239 = arith.constant 0 : i32
    %dma_wait3A_240 = tpu.memref_slice %arg9[%dma_wait3A_238, %dma_wait3A_239] : memref<4x64xi32, #tpu.memory_space<vmem>> -> memref<1x64xi32, #tpu.memory_space<vmem>>
    %dma_wait3A_241 = tpu.memref_squeeze %dma_wait3A_240 : memref<1x64xi32, #tpu.memory_space<vmem>> -> memref<64xi32, #tpu.memory_space<vmem>>
    %dma_wait3A_242 = tpu.memref_slice %arg3[%dma_wait3A_237, %mul3A_2] : memref<4x2048xi32, #tpu.memory_space<hbm>> -> memref<1x64xi32, #tpu.memory_space<hbm>>
    %dma_wait3A_243 = tpu.memref_squeeze %dma_wait3A_242 : memref<1x64xi32, #tpu.memory_space<hbm>> -> memref<64xi32, #tpu.memory_space<hbm>>
    %dma_wait3A_244 = arith.constant 0 : i32
    %dma_wait3A_245 = tpu.memref_slice %arg9[%dma_wait3A_238, %dma_wait3A_244] : memref<4x64xi32, #tpu.memory_space<vmem>> -> memref<1x64xi32, #tpu.memory_space<vmem>>
    %dma_wait3A_246 = tpu.memref_squeeze %dma_wait3A_245 : memref<1x64xi32, #tpu.memory_space<vmem>> -> memref<64xi32, #tpu.memory_space<vmem>>
    %dma_wait3A_247 = tpu.memref_slice %arg3[%dma_wait3A_237, %mul3A_2] : memref<4x2048xi32, #tpu.memory_space<hbm>> -> memref<1x64xi32, #tpu.memory_space<hbm>>
    %dma_wait3A_248 = tpu.memref_squeeze %dma_wait3A_247 : memref<1x64xi32, #tpu.memory_space<hbm>> -> memref<64xi32, #tpu.memory_space<hbm>>
    tpu.wait_dma2 semaphore(%arg16 : memref<!tpu.dma_semaphore, #tpu.memory_space<semaphore_mem>>) src(%dma_wait3A_248 : memref<64xi32, #tpu.memory_space<hbm>>) dst(%dma_wait3A_246 : memref<64xi32, #tpu.memory_space<vmem>>)
    %dma_wait3A_249 = arith.constant 2 : i32
    %dma_wait3A_250 = arith.constant 2 : i32
    %dma_wait3A_251 = arith.constant 0 : i32
    %dma_wait3A_252 = tpu.memref_slice %arg9[%dma_wait3A_250, %dma_wait3A_251] : memref<4x64xi32, #tpu.memory_space<vmem>> -> memref<1x64xi32, #tpu.memory_space<vmem>>
    %dma_wait3A_253 = tpu.memref_squeeze %dma_wait3A_252 : memref<1x64xi32, #tpu.memory_space<vmem>> -> memref<64xi32, #tpu.memory_space<vmem>>
    %dma_wait3A_254 = tpu.memref_slice %arg3[%dma_wait3A_249, %mul3A_2] : memref<4x2048xi32, #tpu.memory_space<hbm>> -> memref<1x64xi32, #tpu.memory_space<hbm>>
    %dma_wait3A_255 = tpu.memref_squeeze %dma_wait3A_254 : memref<1x64xi32, #tpu.memory_space<hbm>> -> memref<64xi32, #tpu.memory_space<hbm>>
    %dma_wait3A_256 = arith.constant 0 : i32
    %dma_wait3A_257 = tpu.memref_slice %arg9[%dma_wait3A_250, %dma_wait3A_256] : memref<4x64xi32, #tpu.memory_space<vmem>> -> memref<1x64xi32, #tpu.memory_space<vmem>>
    %dma_wait3A_258 = tpu.memref_squeeze %dma_wait3A_257 : memref<1x64xi32, #tpu.memory_space<vmem>> -> memref<64xi32, #tpu.memory_space<vmem>>
    %dma_wait3A_259 = tpu.memref_slice %arg3[%dma_wait3A_249, %mul3A_2] : memref<4x2048xi32, #tpu.memory_space<hbm>> -> memref<1x64xi32, #tpu.memory_space<hbm>>
    %dma_wait3A_260 = tpu.memref_squeeze %dma_wait3A_259 : memref<1x64xi32, #tpu.memory_space<hbm>> -> memref<64xi32, #tpu.memory_space<hbm>>
    tpu.wait_dma2 semaphore(%arg16 : memref<!tpu.dma_semaphore, #tpu.memory_space<semaphore_mem>>) src(%dma_wait3A_260 : memref<64xi32, #tpu.memory_space<hbm>>) dst(%dma_wait3A_258 : memref<64xi32, #tpu.memory_space<vmem>>)
    %dma_wait3A_261 = arith.constant 3 : i32
    %dma_wait3A_262 = arith.constant 3 : i32
    %dma_wait3A_263 = arith.constant 0 : i32
    %dma_wait3A_264 = tpu.memref_slice %arg9[%dma_wait3A_262, %dma_wait3A_263] : memref<4x64xi32, #tpu.memory_space<vmem>> -> memref<1x64xi32, #tpu.memory_space<vmem>>
    %dma_wait3A_265 = tpu.memref_squeeze %dma_wait3A_264 : memref<1x64xi32, #tpu.memory_space<vmem>> -> memref<64xi32, #tpu.memory_space<vmem>>
    %dma_wait3A_266 = tpu.memref_slice %arg3[%dma_wait3A_261, %mul3A_2] : memref<4x2048xi32, #tpu.memory_space<hbm>> -> memref<1x64xi32, #tpu.memory_space<hbm>>
    %dma_wait3A_267 = tpu.memref_squeeze %dma_wait3A_266 : memref<1x64xi32, #tpu.memory_space<hbm>> -> memref<64xi32, #tpu.memory_space<hbm>>
    %dma_wait3A_268 = arith.constant 0 : i32
    %dma_wait3A_269 = tpu.memref_slice %arg9[%dma_wait3A_262, %dma_wait3A_268] : memref<4x64xi32, #tpu.memory_space<vmem>> -> memref<1x64xi32, #tpu.memory_space<vmem>>
    %dma_wait3A_270 = tpu.memref_squeeze %dma_wait3A_269 : memref<1x64xi32, #tpu.memory_space<vmem>> -> memref<64xi32, #tpu.memory_space<vmem>>
    %dma_wait3A_271 = tpu.memref_slice %arg3[%dma_wait3A_261, %mul3A_2] : memref<4x2048xi32, #tpu.memory_space<hbm>> -> memref<1x64xi32, #tpu.memory_space<hbm>>
    %dma_wait3A_272 = tpu.memref_squeeze %dma_wait3A_271 : memref<1x64xi32, #tpu.memory_space<hbm>> -> memref<64xi32, #tpu.memory_space<hbm>>
    tpu.wait_dma2 semaphore(%arg16 : memref<!tpu.dma_semaphore, #tpu.memory_space<semaphore_mem>>) src(%dma_wait3A_272 : memref<64xi32, #tpu.memory_space<hbm>>) dst(%dma_wait3A_270 : memref<64xi32, #tpu.memory_space<vmem>>)
    tpu.wait_dma2 semaphore(%arg17 : memref<!tpu.dma_semaphore, #tpu.memory_space<semaphore_mem>>) src(%arg6 : memref<2x128xf32, #tpu.memory_space<hbm>>) dst(%arg13 : memref<2x128xf32, #tpu.memory_space<vmem>>)
    %scan3A = arith.constant 0 : i32
    %scan3A_273 = arith.constant 16 : i32
    %scan3A_274 = arith.addi %scan3A, %scan3A_273 : i32
    %scan3A_275 = arith.constant 1 : i32
    scf.for %scan3A_527 = %scan3A to %scan3A_274 step %scan3A_275  : i32 {
      %jit3A = arith.constant 4 : i32
      %div3A = arith.divsi %scan3A_527, %jit3A : i32
      %sign3A = arith.constant 0 : i32
      %sign3A_528 = arith.cmpi sgt, %scan3A_527, %sign3A : i32
      %sign3A_529 = arith.extui %sign3A_528 : i1 to i32
      %sign3A_530 = arith.constant 0 : i32
      %sign3A_531 = arith.cmpi slt, %scan3A_527, %sign3A_530 : i32
      %sign3A_532 = arith.extui %sign3A_531 : i1 to i32
      %sign3A_533 = arith.subi %sign3A_529, %sign3A_532 : i32
      %sign3A_534 = arith.constant 0 : i32
      %sign3A_535 = arith.cmpi sgt, %jit3A, %sign3A_534 : i32
      %sign3A_536 = arith.extui %sign3A_535 : i1 to i32
      %sign3A_537 = arith.constant 0 : i32
      %sign3A_538 = arith.cmpi slt, %jit3A, %sign3A_537 : i32
      %sign3A_539 = arith.extui %sign3A_538 : i1 to i32
      %sign3A_540 = arith.subi %sign3A_536, %sign3A_539 : i32
      %ne3A = arith.cmpi ne, %sign3A_533, %sign3A_540 : i32
      %rem3A = arith.remsi %scan3A_527, %jit3A : i32
      %ne3A_541 = arith.constant 0 : i32
      %ne3A_542 = arith.cmpi ne, %rem3A, %ne3A_541 : i32
      %and3A = arith.andi %ne3A, %ne3A_542 : i1
      %sub3A_543 = arith.constant 1 : i32
      %sub3A_544 = arith.subi %div3A, %sub3A_543 : i32
      %select_n3A = arith.select %and3A, %sub3A_544, %div3A : i32
      %jit3A_545 = arith.constant 4 : i32
      %eq3A = arith.constant 0 : i32
      %eq3A_546 = arith.cmpi eq, %jit3A_545, %eq3A : i32
      %jit3A_547 = arith.constant 1 : i32
      %select_n3A_548 = arith.select %eq3A_546, %jit3A_547, %jit3A_545 : i32
      %rem3A_549 = arith.remsi %scan3A_527, %select_n3A_548 : i32
      %ne3A_550 = arith.constant 0 : i32
      %ne3A_551 = arith.cmpi ne, %rem3A_549, %ne3A_550 : i32
      %lt3A = arith.constant 0 : i32
      %lt3A_552 = arith.cmpi slt, %rem3A_549, %lt3A : i32
      %lt3A_553 = arith.constant 0 : i32
      %lt3A_554 = arith.cmpi slt, %select_n3A_548, %lt3A_553 : i32
      %ne3A_555 = arith.xori %lt3A_552, %lt3A_554 : i1
      %and3A_556 = arith.andi %ne3A_555, %ne3A_551 : i1
      %add3A_557 = arith.addi %rem3A_549, %select_n3A_548 : i32
      %select_n3A_558 = arith.select %and3A_556, %add3A_557, %rem3A_549 : i32
      %mul3A_559 = arith.constant 16 : i32
      %mul3A_560 = arith.muli %select_n3A_558, %mul3A_559 : i32
      %get3A_561 = arith.index_cast %select_n3A : i32 to index
      %get3A_562 = arith.index_cast %mul3A_560 : i32 to index
      %get3A_563 = tpu.vector_load %arg9[%get3A_561, %get3A_562] {strides = array<i32>} : memref<4x64xi32, #tpu.memory_space<vmem>>, vector<1x16xi32>,
      %get3A_564 = vector.shape_cast %get3A_563 : vector<1x16xi32> to vector<16xi32>
      %convert_element_type3A = arith.sitofp %get3A_564 : vector<16xi32> to vector<16xf32>
      %slice3A = vector.extract_strided_slice %convert_element_type3A {offsets = [0], sizes = [1], strides = [1]} : vector<16xf32> to vector<1xf32>
      %squeeze3A = vector.extract %slice3A[0] : f32 from vector<1xf32>
      %broadcast_in_dim3A = vector.broadcast %squeeze3A : f32 to vector<16xf32>
      %mul3A_565 = arith.constant 64 : i32
      %mul3A_566 = arith.muli %select_n3A, %mul3A_565 : i32
      %add3A_567 = arith.addi %mul3A_566, %mul3A_560 : i32
      %add3A_568 = arith.constant 0 : i32
      %add3A_569 = arith.addi %add3A_567, %add3A_568 : i32
      %swap3A = arith.index_cast %add3A_569 : i32 to index
      %swap3A_570 = arith.constant 0 : index
      %swap3A_571 = tpu.vector_load %arg10[%swap3A, %swap3A_570] {strides = array<i32>} : memref<256x16xf32, #tpu.memory_space<vmem>>, vector<1x16xf32>,
      %swap3A_572 = vector.shape_cast %swap3A_571 : vector<1x16xf32> to vector<16xf32>
      %swap3A_573 = vector.shape_cast %broadcast_in_dim3A : vector<16xf32> to vector<1x16xf32>
      tpu.vector_store %arg10[%swap3A, %swap3A_570], %swap3A_573 {strides = array<i32>} : memref<256x16xf32, #tpu.memory_space<vmem>>, vector<1x16xf32>,
      %slice3A_574 = vector.extract_strided_slice %convert_element_type3A {offsets = [1], sizes = [1], strides = [1]} : vector<16xf32> to vector<1xf32>
      %squeeze3A_575 = vector.extract %slice3A_574[0] : f32 from vector<1xf32>
      %broadcast_in_dim3A_576 = vector.broadcast %squeeze3A_575 : f32 to vector<16xf32>
      %mul3A_577 = arith.constant 64 : i32
      %mul3A_578 = arith.muli %select_n3A, %mul3A_577 : i32
      %add3A_579 = arith.addi %mul3A_578, %mul3A_560 : i32
      %add3A_580 = arith.constant 1 : i32
      %add3A_581 = arith.addi %add3A_579, %add3A_580 : i32
      %swap3A_582 = arith.index_cast %add3A_581 : i32 to index
      %swap3A_583 = arith.constant 0 : index
      %swap3A_584 = tpu.vector_load %arg10[%swap3A_582, %swap3A_583] {strides = array<i32>} : memref<256x16xf32, #tpu.memory_space<vmem>>, vector<1x16xf32>,
      %swap3A_585 = vector.shape_cast %swap3A_584 : vector<1x16xf32> to vector<16xf32>
      %swap3A_586 = vector.shape_cast %broadcast_in_dim3A_576 : vector<16xf32> to vector<1x16xf32>
      tpu.vector_store %arg10[%swap3A_582, %swap3A_583], %swap3A_586 {strides = array<i32>} : memref<256x16xf32, #tpu.memory_space<vmem>>, vector<1x16xf32>,
      %slice3A_587 = vector.extract_strided_slice %convert_element_type3A {offsets = [2], sizes = [1], strides = [1]} : vector<16xf32> to vector<1xf32>
      %squeeze3A_588 = vector.extract %slice3A_587[0] : f32 from vector<1xf32>
      %broadcast_in_dim3A_589 = vector.broadcast %squeeze3A_588 : f32 to vector<16xf32>
      %mul3A_590 = arith.constant 64 : i32
      %mul3A_591 = arith.muli %select_n3A, %mul3A_590 : i32
      %add3A_592 = arith.addi %mul3A_591, %mul3A_560 : i32
      %add3A_593 = arith.constant 2 : i32
      %add3A_594 = arith.addi %add3A_592, %add3A_593 : i32
      %swap3A_595 = arith.index_cast %add3A_594 : i32 to index
      %swap3A_596 = arith.constant 0 : index
      %swap3A_597 = tpu.vector_load %arg10[%swap3A_595, %swap3A_596] {strides = array<i32>} : memref<256x16xf32, #tpu.memory_space<vmem>>, vector<1x16xf32>,
      %swap3A_598 = vector.shape_cast %swap3A_597 : vector<1x16xf32> to vector<16xf32>
      %swap3A_599 = vector.shape_cast %broadcast_in_dim3A_589 : vector<16xf32> to vector<1x16xf32>
      tpu.vector_store %arg10[%swap3A_595, %swap3A_596], %swap3A_599 {strides = array<i32>} : memref<256x16xf32, #tpu.memory_space<vmem>>, vector<1x16xf32>,
      %slice3A_600 = vector.extract_strided_slice %convert_element_type3A {offsets = [3], sizes = [1], strides = [1]} : vector<16xf32> to vector<1xf32>
      %squeeze3A_601 = vector.extract %slice3A_600[0] : f32 from vector<1xf32>
      %broadcast_in_dim3A_602 = vector.broadcast %squeeze3A_601 : f32 to vector<16xf32>
      %mul3A_603 = arith.constant 64 : i32
      %mul3A_604 = arith.muli %select_n3A, %mul3A_603 : i32
      %add3A_605 = arith.addi %mul3A_604, %mul3A_560 : i32
      %add3A_606 = arith.constant 3 : i32
      %add3A_607 = arith.addi %add3A_605, %add3A_606 : i32
      %swap3A_608 = arith.index_cast %add3A_607 : i32 to index
      %swap3A_609 = arith.constant 0 : index
      %swap3A_610 = tpu.vector_load %arg10[%swap3A_608, %swap3A_609] {strides = array<i32>} : memref<256x16xf32, #tpu.memory_space<vmem>>, vector<1x16xf32>,
      %swap3A_611 = vector.shape_cast %swap3A_610 : vector<1x16xf32> to vector<16xf32>
      %swap3A_612 = vector.shape_cast %broadcast_in_dim3A_602 : vector<16xf32> to vector<1x16xf32>
      tpu.vector_store %arg10[%swap3A_608, %swap3A_609], %swap3A_612 {strides = array<i32>} : memref<256x16xf32, #tpu.memory_space<vmem>>, vector<1x16xf32>,
      %slice3A_613 = vector.extract_strided_slice %convert_element_type3A {offsets = [4], sizes = [1], strides = [1]} : vector<16xf32> to vector<1xf32>
      %squeeze3A_614 = vector.extract %slice3A_613[0] : f32 from vector<1xf32>
      %broadcast_in_dim3A_615 = vector.broadcast %squeeze3A_614 : f32 to vector<16xf32>
      %mul3A_616 = arith.constant 64 : i32
      %mul3A_617 = arith.muli %select_n3A, %mul3A_616 : i32
      %add3A_618 = arith.addi %mul3A_617, %mul3A_560 : i32
      %add3A_619 = arith.constant 4 : i32
      %add3A_620 = arith.addi %add3A_618, %add3A_619 : i32
      %swap3A_621 = arith.index_cast %add3A_620 : i32 to index
      %swap3A_622 = arith.constant 0 : index
      %swap3A_623 = tpu.vector_load %arg10[%swap3A_621, %swap3A_622] {strides = array<i32>} : memref<256x16xf32, #tpu.memory_space<vmem>>, vector<1x16xf32>,
      %swap3A_624 = vector.shape_cast %swap3A_623 : vector<1x16xf32> to vector<16xf32>
      %swap3A_625 = vector.shape_cast %broadcast_in_dim3A_615 : vector<16xf32> to vector<1x16xf32>
      tpu.vector_store %arg10[%swap3A_621, %swap3A_622], %swap3A_625 {strides = array<i32>} : memref<256x16xf32, #tpu.memory_space<vmem>>, vector<1x16xf32>,
      %slice3A_626 = vector.extract_strided_slice %convert_element_type3A {offsets = [5], sizes = [1], strides = [1]} : vector<16xf32> to vector<1xf32>
      %squeeze3A_627 = vector.extract %slice3A_626[0] : f32 from vector<1xf32>
      %broadcast_in_dim3A_628 = vector.broadcast %squeeze3A_627 : f32 to vector<16xf32>
      %mul3A_629 = arith.constant 64 : i32
      %mul3A_630 = arith.muli %select_n3A, %mul3A_629 : i32
      %add3A_631 = arith.addi %mul3A_630, %mul3A_560 : i32
      %add3A_632 = arith.constant 5 : i32
      %add3A_633 = arith.addi %add3A_631, %add3A_632 : i32
      %swap3A_634 = arith.index_cast %add3A_633 : i32 to index
      %swap3A_635 = arith.constant 0 : index
      %swap3A_636 = tpu.vector_load %arg10[%swap3A_634, %swap3A_635] {strides = array<i32>} : memref<256x16xf32, #tpu.memory_space<vmem>>, vector<1x16xf32>,
      %swap3A_637 = vector.shape_cast %swap3A_636 : vector<1x16xf32> to vector<16xf32>
      %swap3A_638 = vector.shape_cast %broadcast_in_dim3A_628 : vector<16xf32> to vector<1x16xf32>
      tpu.vector_store %arg10[%swap3A_634, %swap3A_635], %swap3A_638 {strides = array<i32>} : memref<256x16xf32, #tpu.memory_space<vmem>>, vector<1x16xf32>,
      %slice3A_639 = vector.extract_strided_slice %convert_element_type3A {offsets = [6], sizes = [1], strides = [1]} : vector<16xf32> to vector<1xf32>
      %squeeze3A_640 = vector.extract %slice3A_639[0] : f32 from vector<1xf32>
      %broadcast_in_dim3A_641 = vector.broadcast %squeeze3A_640 : f32 to vector<16xf32>
      %mul3A_642 = arith.constant 64 : i32
      %mul3A_643 = arith.muli %select_n3A, %mul3A_642 : i32
      %add3A_644 = arith.addi %mul3A_643, %mul3A_560 : i32
      %add3A_645 = arith.constant 6 : i32
      %add3A_646 = arith.addi %add3A_644, %add3A_645 : i32
      %swap3A_647 = arith.index_cast %add3A_646 : i32 to index
      %swap3A_648 = arith.constant 0 : index
      %swap3A_649 = tpu.vector_load %arg10[%swap3A_647, %swap3A_648] {strides = array<i32>} : memref<256x16xf32, #tpu.memory_space<vmem>>, vector<1x16xf32>,
      %swap3A_650 = vector.shape_cast %swap3A_649 : vector<1x16xf32> to vector<16xf32>
      %swap3A_651 = vector.shape_cast %broadcast_in_dim3A_641 : vector<16xf32> to vector<1x16xf32>
      tpu.vector_store %arg10[%swap3A_647, %swap3A_648], %swap3A_651 {strides = array<i32>} : memref<256x16xf32, #tpu.memory_space<vmem>>, vector<1x16xf32>,
      %slice3A_652 = vector.extract_strided_slice %convert_element_type3A {offsets = [7], sizes = [1], strides = [1]} : vector<16xf32> to vector<1xf32>
      %squeeze3A_653 = vector.extract %slice3A_652[0] : f32 from vector<1xf32>
      %broadcast_in_dim3A_654 = vector.broadcast %squeeze3A_653 : f32 to vector<16xf32>
      %mul3A_655 = arith.constant 64 : i32
      %mul3A_656 = arith.muli %select_n3A, %mul3A_655 : i32
      %add3A_657 = arith.addi %mul3A_656, %mul3A_560 : i32
      %add3A_658 = arith.constant 7 : i32
      %add3A_659 = arith.addi %add3A_657, %add3A_658 : i32
      %swap3A_660 = arith.index_cast %add3A_659 : i32 to index
      %swap3A_661 = arith.constant 0 : index
      %swap3A_662 = tpu.vector_load %arg10[%swap3A_660, %swap3A_661] {strides = array<i32>} : memref<256x16xf32, #tpu.memory_space<vmem>>, vector<1x16xf32>,
      %swap3A_663 = vector.shape_cast %swap3A_662 : vector<1x16xf32> to vector<16xf32>
      %swap3A_664 = vector.shape_cast %broadcast_in_dim3A_654 : vector<16xf32> to vector<1x16xf32>
      tpu.vector_store %arg10[%swap3A_660, %swap3A_661], %swap3A_664 {strides = array<i32>} : memref<256x16xf32, #tpu.memory_space<vmem>>, vector<1x16xf32>,
      %slice3A_665 = vector.extract_strided_slice %convert_element_type3A {offsets = [8], sizes = [1], strides = [1]} : vector<16xf32> to vector<1xf32>
      %squeeze3A_666 = vector.extract %slice3A_665[0] : f32 from vector<1xf32>
      %broadcast_in_dim3A_667 = vector.broadcast %squeeze3A_666 : f32 to vector<16xf32>
      %mul3A_668 = arith.constant 64 : i32
      %mul3A_669 = arith.muli %select_n3A, %mul3A_668 : i32
      %add3A_670 = arith.addi %mul3A_669, %mul3A_560 : i32
      %add3A_671 = arith.constant 8 : i32
      %add3A_672 = arith.addi %add3A_670, %add3A_671 : i32
      %swap3A_673 = arith.index_cast %add3A_672 : i32 to index
      %swap3A_674 = arith.constant 0 : index
      %swap3A_675 = tpu.vector_load %arg10[%swap3A_673, %swap3A_674] {strides = array<i32>} : memref<256x16xf32, #tpu.memory_space<vmem>>, vector<1x16xf32>,
      %swap3A_676 = vector.shape_cast %swap3A_675 : vector<1x16xf32> to vector<16xf32>
      %swap3A_677 = vector.shape_cast %broadcast_in_dim3A_667 : vector<16xf32> to vector<1x16xf32>
      tpu.vector_store %arg10[%swap3A_673, %swap3A_674], %swap3A_677 {strides = array<i32>} : memref<256x16xf32, #tpu.memory_space<vmem>>, vector<1x16xf32>,
      %slice3A_678 = vector.extract_strided_slice %convert_element_type3A {offsets = [9], sizes = [1], strides = [1]} : vector<16xf32> to vector<1xf32>
      %squeeze3A_679 = vector.extract %slice3A_678[0] : f32 from vector<1xf32>
      %broadcast_in_dim3A_680 = vector.broadcast %squeeze3A_679 : f32 to vector<16xf32>
      %mul3A_681 = arith.constant 64 : i32
      %mul3A_682 = arith.muli %select_n3A, %mul3A_681 : i32
      %add3A_683 = arith.addi %mul3A_682, %mul3A_560 : i32
      %add3A_684 = arith.constant 9 : i32
      %add3A_685 = arith.addi %add3A_683, %add3A_684 : i32
      %swap3A_686 = arith.index_cast %add3A_685 : i32 to index
      %swap3A_687 = arith.constant 0 : index
      %swap3A_688 = tpu.vector_load %arg10[%swap3A_686, %swap3A_687] {strides = array<i32>} : memref<256x16xf32, #tpu.memory_space<vmem>>, vector<1x16xf32>,
      %swap3A_689 = vector.shape_cast %swap3A_688 : vector<1x16xf32> to vector<16xf32>
      %swap3A_690 = vector.shape_cast %broadcast_in_dim3A_680 : vector<16xf32> to vector<1x16xf32>
      tpu.vector_store %arg10[%swap3A_686, %swap3A_687], %swap3A_690 {strides = array<i32>} : memref<256x16xf32, #tpu.memory_space<vmem>>, vector<1x16xf32>,
      %slice3A_691 = vector.extract_strided_slice %convert_element_type3A {offsets = [10], sizes = [1], strides = [1]} : vector<16xf32> to vector<1xf32>
      %squeeze3A_692 = vector.extract %slice3A_691[0] : f32 from vector<1xf32>
      %broadcast_in_dim3A_693 = vector.broadcast %squeeze3A_692 : f32 to vector<16xf32>
      %mul3A_694 = arith.constant 64 : i32
      %mul3A_695 = arith.muli %select_n3A, %mul3A_694 : i32
      %add3A_696 = arith.addi %mul3A_695, %mul3A_560 : i32
      %add3A_697 = arith.constant 10 : i32
      %add3A_698 = arith.addi %add3A_696, %add3A_697 : i32
      %swap3A_699 = arith.index_cast %add3A_698 : i32 to index
      %swap3A_700 = arith.constant 0 : index
      %swap3A_701 = tpu.vector_load %arg10[%swap3A_699, %swap3A_700] {strides = array<i32>} : memref<256x16xf32, #tpu.memory_space<vmem>>, vector<1x16xf32>,
      %swap3A_702 = vector.shape_cast %swap3A_701 : vector<1x16xf32> to vector<16xf32>
      %swap3A_703 = vector.shape_cast %broadcast_in_dim3A_693 : vector<16xf32> to vector<1x16xf32>
      tpu.vector_store %arg10[%swap3A_699, %swap3A_700], %swap3A_703 {strides = array<i32>} : memref<256x16xf32, #tpu.memory_space<vmem>>, vector<1x16xf32>,
      %slice3A_704 = vector.extract_strided_slice %convert_element_type3A {offsets = [11], sizes = [1], strides = [1]} : vector<16xf32> to vector<1xf32>
      %squeeze3A_705 = vector.extract %slice3A_704[0] : f32 from vector<1xf32>
      %broadcast_in_dim3A_706 = vector.broadcast %squeeze3A_705 : f32 to vector<16xf32>
      %mul3A_707 = arith.constant 64 : i32
      %mul3A_708 = arith.muli %select_n3A, %mul3A_707 : i32
      %add3A_709 = arith.addi %mul3A_708, %mul3A_560 : i32
      %add3A_710 = arith.constant 11 : i32
      %add3A_711 = arith.addi %add3A_709, %add3A_710 : i32
      %swap3A_712 = arith.index_cast %add3A_711 : i32 to index
      %swap3A_713 = arith.constant 0 : index
      %swap3A_714 = tpu.vector_load %arg10[%swap3A_712, %swap3A_713] {strides = array<i32>} : memref<256x16xf32, #tpu.memory_space<vmem>>, vector<1x16xf32>,
      %swap3A_715 = vector.shape_cast %swap3A_714 : vector<1x16xf32> to vector<16xf32>
      %swap3A_716 = vector.shape_cast %broadcast_in_dim3A_706 : vector<16xf32> to vector<1x16xf32>
      tpu.vector_store %arg10[%swap3A_712, %swap3A_713], %swap3A_716 {strides = array<i32>} : memref<256x16xf32, #tpu.memory_space<vmem>>, vector<1x16xf32>,
      %slice3A_717 = vector.extract_strided_slice %convert_element_type3A {offsets = [12], sizes = [1], strides = [1]} : vector<16xf32> to vector<1xf32>
      %squeeze3A_718 = vector.extract %slice3A_717[0] : f32 from vector<1xf32>
      %broadcast_in_dim3A_719 = vector.broadcast %squeeze3A_718 : f32 to vector<16xf32>
      %mul3A_720 = arith.constant 64 : i32
      %mul3A_721 = arith.muli %select_n3A, %mul3A_720 : i32
      %add3A_722 = arith.addi %mul3A_721, %mul3A_560 : i32
      %add3A_723 = arith.constant 12 : i32
      %add3A_724 = arith.addi %add3A_722, %add3A_723 : i32
      %swap3A_725 = arith.index_cast %add3A_724 : i32 to index
      %swap3A_726 = arith.constant 0 : index
      %swap3A_727 = tpu.vector_load %arg10[%swap3A_725, %swap3A_726] {strides = array<i32>} : memref<256x16xf32, #tpu.memory_space<vmem>>, vector<1x16xf32>,
      %swap3A_728 = vector.shape_cast %swap3A_727 : vector<1x16xf32> to vector<16xf32>
      %swap3A_729 = vector.shape_cast %broadcast_in_dim3A_719 : vector<16xf32> to vector<1x16xf32>
      tpu.vector_store %arg10[%swap3A_725, %swap3A_726], %swap3A_729 {strides = array<i32>} : memref<256x16xf32, #tpu.memory_space<vmem>>, vector<1x16xf32>,
      %slice3A_730 = vector.extract_strided_slice %convert_element_type3A {offsets = [13], sizes = [1], strides = [1]} : vector<16xf32> to vector<1xf32>
      %squeeze3A_731 = vector.extract %slice3A_730[0] : f32 from vector<1xf32>
      %broadcast_in_dim3A_732 = vector.broadcast %squeeze3A_731 : f32 to vector<16xf32>
      %mul3A_733 = arith.constant 64 : i32
      %mul3A_734 = arith.muli %select_n3A, %mul3A_733 : i32
      %add3A_735 = arith.addi %mul3A_734, %mul3A_560 : i32
      %add3A_736 = arith.constant 13 : i32
      %add3A_737 = arith.addi %add3A_735, %add3A_736 : i32
      %swap3A_738 = arith.index_cast %add3A_737 : i32 to index
      %swap3A_739 = arith.constant 0 : index
      %swap3A_740 = tpu.vector_load %arg10[%swap3A_738, %swap3A_739] {strides = array<i32>} : memref<256x16xf32, #tpu.memory_space<vmem>>, vector<1x16xf32>,
      %swap3A_741 = vector.shape_cast %swap3A_740 : vector<1x16xf32> to vector<16xf32>
      %swap3A_742 = vector.shape_cast %broadcast_in_dim3A_732 : vector<16xf32> to vector<1x16xf32>
      tpu.vector_store %arg10[%swap3A_738, %swap3A_739], %swap3A_742 {strides = array<i32>} : memref<256x16xf32, #tpu.memory_space<vmem>>, vector<1x16xf32>,
      %slice3A_743 = vector.extract_strided_slice %convert_element_type3A {offsets = [14], sizes = [1], strides = [1]} : vector<16xf32> to vector<1xf32>
      %squeeze3A_744 = vector.extract %slice3A_743[0] : f32 from vector<1xf32>
      %broadcast_in_dim3A_745 = vector.broadcast %squeeze3A_744 : f32 to vector<16xf32>
      %mul3A_746 = arith.constant 64 : i32
      %mul3A_747 = arith.muli %select_n3A, %mul3A_746 : i32
      %add3A_748 = arith.addi %mul3A_747, %mul3A_560 : i32
      %add3A_749 = arith.constant 14 : i32
      %add3A_750 = arith.addi %add3A_748, %add3A_749 : i32
      %swap3A_751 = arith.index_cast %add3A_750 : i32 to index
      %swap3A_752 = arith.constant 0 : index
      %swap3A_753 = tpu.vector_load %arg10[%swap3A_751, %swap3A_752] {strides = array<i32>} : memref<256x16xf32, #tpu.memory_space<vmem>>, vector<1x16xf32>,
      %swap3A_754 = vector.shape_cast %swap3A_753 : vector<1x16xf32> to vector<16xf32>
      %swap3A_755 = vector.shape_cast %broadcast_in_dim3A_745 : vector<16xf32> to vector<1x16xf32>
      tpu.vector_store %arg10[%swap3A_751, %swap3A_752], %swap3A_755 {strides = array<i32>} : memref<256x16xf32, #tpu.memory_space<vmem>>, vector<1x16xf32>,
      %slice3A_756 = vector.extract_strided_slice %convert_element_type3A {offsets = [15], sizes = [1], strides = [1]} : vector<16xf32> to vector<1xf32>
      %squeeze3A_757 = vector.extract %slice3A_756[0] : f32 from vector<1xf32>
      %broadcast_in_dim3A_758 = vector.broadcast %squeeze3A_757 : f32 to vector<16xf32>
      %mul3A_759 = arith.constant 64 : i32
      %mul3A_760 = arith.muli %select_n3A, %mul3A_759 : i32
      %add3A_761 = arith.addi %mul3A_760, %mul3A_560 : i32
      %add3A_762 = arith.constant 15 : i32
      %add3A_763 = arith.addi %add3A_761, %add3A_762 : i32
      %swap3A_764 = arith.index_cast %add3A_763 : i32 to index
      %swap3A_765 = arith.constant 0 : index
      %swap3A_766 = tpu.vector_load %arg10[%swap3A_764, %swap3A_765] {strides = array<i32>} : memref<256x16xf32, #tpu.memory_space<vmem>>, vector<1x16xf32>,
      %swap3A_767 = vector.shape_cast %swap3A_766 : vector<1x16xf32> to vector<16xf32>
      %swap3A_768 = vector.shape_cast %broadcast_in_dim3A_758 : vector<16xf32> to vector<1x16xf32>
      tpu.vector_store %arg10[%swap3A_764, %swap3A_765], %swap3A_768 {strides = array<i32>} : memref<256x16xf32, #tpu.memory_space<vmem>>, vector<1x16xf32>,
    }
    %scan3A_276 = arith.constant 16 : i32
    %get3A = arith.constant 0 : i32
    %get3A_277 = arith.index_cast %get3A : i32 to index
    %get3A_278 = arith.constant 0 : index
    %get3A_279 = tpu.vector_load %arg13[%get3A_277, %get3A_278] {strides = array<i32>} : memref<2x128xf32, #tpu.memory_space<vmem>>, vector<1x16xf32>,
    %get3A_280 = vector.shape_cast %get3A_279 : vector<1x16xf32> to vector<16xf32>
    %get3A_281 = arith.constant 0 : i32
    %get3A_282 = arith.index_cast %get3A_281 : i32 to index
    %get3A_283 = arith.constant 16 : index
    %get3A_284 = tpu.vector_load %arg13[%get3A_282, %get3A_283] {strides = array<i32>} : memref<2x128xf32, #tpu.memory_space<vmem>>, vector<1x16xf32>,
    %get3A_285 = vector.shape_cast %get3A_284 : vector<1x16xf32> to vector<16xf32>
    %get3A_286 = arith.constant 0 : i32
    %get3A_287 = arith.index_cast %get3A_286 : i32 to index
    %get3A_288 = arith.constant 32 : index
    %get3A_289 = tpu.vector_load %arg13[%get3A_287, %get3A_288] {strides = array<i32>} : memref<2x128xf32, #tpu.memory_space<vmem>>, vector<1x16xf32>,
    %get3A_290 = vector.shape_cast %get3A_289 : vector<1x16xf32> to vector<16xf32>
    %get3A_291 = arith.constant 0 : i32
    %get3A_292 = arith.index_cast %get3A_291 : i32 to index
    %get3A_293 = arith.constant 48 : index
    %get3A_294 = tpu.vector_load %arg13[%get3A_292, %get3A_293] {strides = array<i32>} : memref<2x128xf32, #tpu.memory_space<vmem>>, vector<1x16xf32>,
    %get3A_295 = vector.shape_cast %get3A_294 : vector<1x16xf32> to vector<16xf32>
    %get3A_296 = arith.constant 0 : i32
    %get3A_297 = arith.index_cast %get3A_296 : i32 to index
    %get3A_298 = arith.constant 64 : index
    %get3A_299 = tpu.vector_load %arg13[%get3A_297, %get3A_298] {strides = array<i32>} : memref<2x128xf32, #tpu.memory_space<vmem>>, vector<1x16xf32>,
    %get3A_300 = vector.shape_cast %get3A_299 : vector<1x16xf32> to vector<16xf32>
    %get3A_301 = arith.constant 0 : i32
    %get3A_302 = arith.index_cast %get3A_301 : i32 to index
    %get3A_303 = arith.constant 80 : index
    %get3A_304 = tpu.vector_load %arg13[%get3A_302, %get3A_303] {strides = array<i32>} : memref<2x128xf32, #tpu.memory_space<vmem>>, vector<1x16xf32>,
    %get3A_305 = vector.shape_cast %get3A_304 : vector<1x16xf32> to vector<16xf32>
    %get3A_306 = arith.constant 0 : i32
    %get3A_307 = arith.index_cast %get3A_306 : i32 to index
    %get3A_308 = arith.constant 96 : index
    %get3A_309 = tpu.vector_load %arg13[%get3A_307, %get3A_308] {strides = array<i32>} : memref<2x128xf32, #tpu.memory_space<vmem>>, vector<1x16xf32>,
    %get3A_310 = vector.shape_cast %get3A_309 : vector<1x16xf32> to vector<16xf32>
    %get3A_311 = arith.constant 0 : i32
    %get3A_312 = arith.index_cast %get3A_311 : i32 to index
    %get3A_313 = arith.constant 112 : index
    %get3A_314 = tpu.vector_load %arg13[%get3A_312, %get3A_313] {strides = array<i32>} : memref<2x128xf32, #tpu.memory_space<vmem>>, vector<1x16xf32>,
    %get3A_315 = vector.shape_cast %get3A_314 : vector<1x16xf32> to vector<16xf32>
    %get3A_316 = arith.constant 1 : i32
    %get3A_317 = arith.index_cast %get3A_316 : i32 to index
    %get3A_318 = arith.constant 0 : index
    %get3A_319 = tpu.vector_load %arg13[%get3A_317, %get3A_318] {strides = array<i32>} : memref<2x128xf32, #tpu.memory_space<vmem>>, vector<1x16xf32>,
    %get3A_320 = vector.shape_cast %get3A_319 : vector<1x16xf32> to vector<16xf32>
    %sub3A = arith.subf %get3A_320, %get3A_280 : vector<16xf32>
    %get3A_321 = arith.constant 1 : i32
    %get3A_322 = arith.index_cast %get3A_321 : i32 to index
    %get3A_323 = arith.constant 16 : index
    %get3A_324 = tpu.vector_load %arg13[%get3A_322, %get3A_323] {strides = array<i32>} : memref<2x128xf32, #tpu.memory_space<vmem>>, vector<1x16xf32>,
    %get3A_325 = vector.shape_cast %get3A_324 : vector<1x16xf32> to vector<16xf32>
    %sub3A_326 = arith.subf %get3A_325, %get3A_285 : vector<16xf32>
    %get3A_327 = arith.constant 1 : i32
    %get3A_328 = arith.index_cast %get3A_327 : i32 to index
    %get3A_329 = arith.constant 32 : index
    %get3A_330 = tpu.vector_load %arg13[%get3A_328, %get3A_329] {strides = array<i32>} : memref<2x128xf32, #tpu.memory_space<vmem>>, vector<1x16xf32>,
    %get3A_331 = vector.shape_cast %get3A_330 : vector<1x16xf32> to vector<16xf32>
    %sub3A_332 = arith.subf %get3A_331, %get3A_290 : vector<16xf32>
    %get3A_333 = arith.constant 1 : i32
    %get3A_334 = arith.index_cast %get3A_333 : i32 to index
    %get3A_335 = arith.constant 48 : index
    %get3A_336 = tpu.vector_load %arg13[%get3A_334, %get3A_335] {strides = array<i32>} : memref<2x128xf32, #tpu.memory_space<vmem>>, vector<1x16xf32>,
    %get3A_337 = vector.shape_cast %get3A_336 : vector<1x16xf32> to vector<16xf32>
    %sub3A_338 = arith.subf %get3A_337, %get3A_295 : vector<16xf32>
    %get3A_339 = arith.constant 1 : i32
    %get3A_340 = arith.index_cast %get3A_339 : i32 to index
    %get3A_341 = arith.constant 64 : index
    %get3A_342 = tpu.vector_load %arg13[%get3A_340, %get3A_341] {strides = array<i32>} : memref<2x128xf32, #tpu.memory_space<vmem>>, vector<1x16xf32>,
    %get3A_343 = vector.shape_cast %get3A_342 : vector<1x16xf32> to vector<16xf32>
    %sub3A_344 = arith.subf %get3A_343, %get3A_300 : vector<16xf32>
    %get3A_345 = arith.constant 1 : i32
    %get3A_346 = arith.index_cast %get3A_345 : i32 to index
    %get3A_347 = arith.constant 80 : index
    %get3A_348 = tpu.vector_load %arg13[%get3A_346, %get3A_347] {strides = array<i32>} : memref<2x128xf32, #tpu.memory_space<vmem>>, vector<1x16xf32>,
    %get3A_349 = vector.shape_cast %get3A_348 : vector<1x16xf32> to vector<16xf32>
    %sub3A_350 = arith.subf %get3A_349, %get3A_305 : vector<16xf32>
    %get3A_351 = arith.constant 1 : i32
    %get3A_352 = arith.index_cast %get3A_351 : i32 to index
    %get3A_353 = arith.constant 96 : index
    %get3A_354 = tpu.vector_load %arg13[%get3A_352, %get3A_353] {strides = array<i32>} : memref<2x128xf32, #tpu.memory_space<vmem>>, vector<1x16xf32>,
    %get3A_355 = vector.shape_cast %get3A_354 : vector<1x16xf32> to vector<16xf32>
    %sub3A_356 = arith.subf %get3A_355, %get3A_310 : vector<16xf32>
    %get3A_357 = arith.constant 1 : i32
    %get3A_358 = arith.index_cast %get3A_357 : i32 to index
    %get3A_359 = arith.constant 112 : index
    %get3A_360 = tpu.vector_load %arg13[%get3A_358, %get3A_359] {strides = array<i32>} : memref<2x128xf32, #tpu.memory_space<vmem>>, vector<1x16xf32>,
    %get3A_361 = vector.shape_cast %get3A_360 : vector<1x16xf32> to vector<16xf32>
    %sub3A_362 = arith.subf %get3A_361, %get3A_315 : vector<16xf32>
    %dma_wait3A_363 = arith.constant 0 : i32
    %dma_wait3A_364 = tpu.memref_slice %arg5[%mul3A_2, %dma_wait3A_363] : memref<2048x128xf32, #tpu.memory_space<hbm>> -> memref<64x128xf32, #tpu.memory_space<hbm>>
    %dma_wait3A_365 = arith.constant 0 : i32
    %dma_wait3A_366 = tpu.memref_slice %arg5[%mul3A_2, %dma_wait3A_365] : memref<2048x128xf32, #tpu.memory_space<hbm>> -> memref<64x128xf32, #tpu.memory_space<hbm>>
    tpu.wait_dma2 semaphore(%arg18 : memref<!tpu.dma_semaphore, #tpu.memory_space<semaphore_mem>>) src(%dma_wait3A_366 : memref<64x128xf32, #tpu.memory_space<hbm>>) dst(%arg12 : memref<64x128xf32, #tpu.memory_space<vmem>>)
    %dma_wait3A_367 = arith.constant 0 : i32
    %dma_wait3A_368 = arith.constant 0 : i32
    %dma_wait3A_369 = arith.constant 0 : i32
    %dma_wait3A_370 = arith.constant 0 : i32
    %dma_wait3A_371 = tpu.memref_slice %arg11[%dma_wait3A_369, %dma_wait3A_370] : memref<256x128xf32, #tpu.memory_space<vmem>> -> memref<64x128xf32, #tpu.memory_space<vmem>>
    %dma_wait3A_372 = arith.constant 0 : i32
    %dma_wait3A_373 = tpu.memref_slice %arg8[%dma_wait3A_367, %dma_wait3A_372] : memref<4x64xi32, #tpu.memory_space<vmem>> -> memref<1x64xi32, #tpu.memory_space<vmem>>
    %dma_wait3A_374 = tpu.memref_squeeze %dma_wait3A_373 : memref<1x64xi32, #tpu.memory_space<vmem>> -> memref<64xi32, #tpu.memory_space<vmem>>
    %dma_wait3A_375 = arith.constant 0 : i32
    %dma_wait3A_376 = arith.constant 0 : i32
    %dma_wait3A_377 = tpu.memref_slice %arg4[%dma_wait3A_375, %dma_wait3A_376] : memref<100000x128xf32, #tpu.memory_space<hbm>> -> memref<100000x128xf32, #tpu.memory_space<hbm>>
    %dma_wait3A_378 = tpu.memref_slice %arg14[%dma_wait3A_368] : memref<4x!tpu.dma_semaphore, #tpu.memory_space<semaphore_mem>> -> memref<1x!tpu.dma_semaphore, #tpu.memory_space<semaphore_mem>>
    %dma_wait3A_379 = tpu.memref_squeeze %dma_wait3A_378 : memref<1x!tpu.dma_semaphore, #tpu.memory_space<semaphore_mem>> -> memref<!tpu.dma_semaphore, #tpu.memory_space<semaphore_mem>>
    tpu.wait_indirect_dma semaphore(%dma_wait3A_379 : memref<!tpu.dma_semaphore, #tpu.memory_space<semaphore_mem>>) src(%dma_wait3A_377 : memref<100000x128xf32, #tpu.memory_space<hbm>>) dst(%dma_wait3A_371 : memref<64x128xf32, #tpu.memory_space<vmem>>)
    %scan3A_380 = arith.constant 0 : i32
    %scan3A_381 = arith.constant 64 : i32
    %scan3A_382 = arith.addi %scan3A_380, %scan3A_381 : i32
    %scan3A_383 = arith.constant 1 : i32
    scf.for %scan3A_527 = %scan3A_380 to %scan3A_382 step %scan3A_383  : i32 {
      %add3A_528 = arith.constant 0 : i32
      %add3A_529 = arith.addi %add3A_528, %scan3A_527 : i32
      %get3A_530 = arith.index_cast %add3A_529 : i32 to index
      %get3A_531 = arith.constant 0 : index
      %get3A_532 = tpu.vector_load %arg10[%get3A_530, %get3A_531] {strides = array<i32>} : memref<256x16xf32, #tpu.memory_space<vmem>>, vector<1x16xf32>,
      %get3A_533 = vector.shape_cast %get3A_532 : vector<1x16xf32> to vector<16xf32>
      %get3A_534 = arith.index_cast %add3A_529 : i32 to index
      %get3A_535 = arith.constant 0 : index
      %get3A_536 = tpu.vector_load %arg11[%get3A_534, %get3A_535] {strides = array<i32>} : memref<256x128xf32, #tpu.memory_space<vmem>>, vector<1x16xf32>,
      %get3A_537 = vector.shape_cast %get3A_536 : vector<1x16xf32> to vector<16xf32>
      %get3A_538 = arith.index_cast %scan3A_527 : i32 to index
      %get3A_539 = arith.constant 0 : index
      %get3A_540 = tpu.vector_load %arg12[%get3A_538, %get3A_539] {strides = array<i32>} : memref<64x128xf32, #tpu.memory_space<vmem>>, vector<1x16xf32>,
      %get3A_541 = vector.shape_cast %get3A_540 : vector<1x16xf32> to vector<16xf32>
      %add3A_542 = arith.addf %get3A_537, %get3A_541 : vector<16xf32>
      %mul3A_543 = arith.mulf %get3A_533, %sub3A : vector<16xf32>
      %add3A_544 = arith.addf %get3A_280, %mul3A_543 : vector<16xf32>
      %add3A_545 = arith.addf %add3A_542, %add3A_544 : vector<16xf32>
      %swap3A = arith.index_cast %add3A_529 : i32 to index
      %swap3A_546 = arith.constant 0 : index
      %swap3A_547 = tpu.vector_load %arg11[%swap3A, %swap3A_546] {strides = array<i32>} : memref<256x128xf32, #tpu.memory_space<vmem>>, vector<1x16xf32>,
      %swap3A_548 = vector.shape_cast %swap3A_547 : vector<1x16xf32> to vector<16xf32>
      %swap3A_549 = vector.shape_cast %add3A_545 : vector<16xf32> to vector<1x16xf32>
      tpu.vector_store %arg11[%swap3A, %swap3A_546], %swap3A_549 {strides = array<i32>} : memref<256x128xf32, #tpu.memory_space<vmem>>, vector<1x16xf32>,
      %get3A_550 = arith.index_cast %add3A_529 : i32 to index
      %get3A_551 = arith.constant 16 : index
      %get3A_552 = tpu.vector_load %arg11[%get3A_550, %get3A_551] {strides = array<i32>} : memref<256x128xf32, #tpu.memory_space<vmem>>, vector<1x16xf32>,
      %get3A_553 = vector.shape_cast %get3A_552 : vector<1x16xf32> to vector<16xf32>
      %get3A_554 = arith.index_cast %scan3A_527 : i32 to index
      %get3A_555 = arith.constant 16 : index
      %get3A_556 = tpu.vector_load %arg12[%get3A_554, %get3A_555] {strides = array<i32>} : memref<64x128xf32, #tpu.memory_space<vmem>>, vector<1x16xf32>,
      %get3A_557 = vector.shape_cast %get3A_556 : vector<1x16xf32> to vector<16xf32>
      %add3A_558 = arith.addf %get3A_553, %get3A_557 : vector<16xf32>
      %mul3A_559 = arith.mulf %get3A_533, %sub3A_326 : vector<16xf32>
      %add3A_560 = arith.addf %get3A_285, %mul3A_559 : vector<16xf32>
      %add3A_561 = arith.addf %add3A_558, %add3A_560 : vector<16xf32>
      %swap3A_562 = arith.index_cast %add3A_529 : i32 to index
      %swap3A_563 = arith.constant 16 : index
      %swap3A_564 = tpu.vector_load %arg11[%swap3A_562, %swap3A_563] {strides = array<i32>} : memref<256x128xf32, #tpu.memory_space<vmem>>, vector<1x16xf32>,
      %swap3A_565 = vector.shape_cast %swap3A_564 : vector<1x16xf32> to vector<16xf32>
      %swap3A_566 = vector.shape_cast %add3A_561 : vector<16xf32> to vector<1x16xf32>
      tpu.vector_store %arg11[%swap3A_562, %swap3A_563], %swap3A_566 {strides = array<i32>} : memref<256x128xf32, #tpu.memory_space<vmem>>, vector<1x16xf32>,
      %get3A_567 = arith.index_cast %add3A_529 : i32 to index
      %get3A_568 = arith.constant 32 : index
      %get3A_569 = tpu.vector_load %arg11[%get3A_567, %get3A_568] {strides = array<i32>} : memref<256x128xf32, #tpu.memory_space<vmem>>, vector<1x16xf32>,
      %get3A_570 = vector.shape_cast %get3A_569 : vector<1x16xf32> to vector<16xf32>
      %get3A_571 = arith.index_cast %scan3A_527 : i32 to index
      %get3A_572 = arith.constant 32 : index
      %get3A_573 = tpu.vector_load %arg12[%get3A_571, %get3A_572] {strides = array<i32>} : memref<64x128xf32, #tpu.memory_space<vmem>>, vector<1x16xf32>,
      %get3A_574 = vector.shape_cast %get3A_573 : vector<1x16xf32> to vector<16xf32>
      %add3A_575 = arith.addf %get3A_570, %get3A_574 : vector<16xf32>
      %mul3A_576 = arith.mulf %get3A_533, %sub3A_332 : vector<16xf32>
      %add3A_577 = arith.addf %get3A_290, %mul3A_576 : vector<16xf32>
      %add3A_578 = arith.addf %add3A_575, %add3A_577 : vector<16xf32>
      %swap3A_579 = arith.index_cast %add3A_529 : i32 to index
      %swap3A_580 = arith.constant 32 : index
      %swap3A_581 = tpu.vector_load %arg11[%swap3A_579, %swap3A_580] {strides = array<i32>} : memref<256x128xf32, #tpu.memory_space<vmem>>, vector<1x16xf32>,
      %swap3A_582 = vector.shape_cast %swap3A_581 : vector<1x16xf32> to vector<16xf32>
      %swap3A_583 = vector.shape_cast %add3A_578 : vector<16xf32> to vector<1x16xf32>
      tpu.vector_store %arg11[%swap3A_579, %swap3A_580], %swap3A_583 {strides = array<i32>} : memref<256x128xf32, #tpu.memory_space<vmem>>, vector<1x16xf32>,
      %get3A_584 = arith.index_cast %add3A_529 : i32 to index
      %get3A_585 = arith.constant 48 : index
      %get3A_586 = tpu.vector_load %arg11[%get3A_584, %get3A_585] {strides = array<i32>} : memref<256x128xf32, #tpu.memory_space<vmem>>, vector<1x16xf32>,
      %get3A_587 = vector.shape_cast %get3A_586 : vector<1x16xf32> to vector<16xf32>
      %get3A_588 = arith.index_cast %scan3A_527 : i32 to index
      %get3A_589 = arith.constant 48 : index
      %get3A_590 = tpu.vector_load %arg12[%get3A_588, %get3A_589] {strides = array<i32>} : memref<64x128xf32, #tpu.memory_space<vmem>>, vector<1x16xf32>,
      %get3A_591 = vector.shape_cast %get3A_590 : vector<1x16xf32> to vector<16xf32>
      %add3A_592 = arith.addf %get3A_587, %get3A_591 : vector<16xf32>
      %mul3A_593 = arith.mulf %get3A_533, %sub3A_338 : vector<16xf32>
      %add3A_594 = arith.addf %get3A_295, %mul3A_593 : vector<16xf32>
      %add3A_595 = arith.addf %add3A_592, %add3A_594 : vector<16xf32>
      %swap3A_596 = arith.index_cast %add3A_529 : i32 to index
      %swap3A_597 = arith.constant 48 : index
      %swap3A_598 = tpu.vector_load %arg11[%swap3A_596, %swap3A_597] {strides = array<i32>} : memref<256x128xf32, #tpu.memory_space<vmem>>, vector<1x16xf32>,
      %swap3A_599 = vector.shape_cast %swap3A_598 : vector<1x16xf32> to vector<16xf32>
      %swap3A_600 = vector.shape_cast %add3A_595 : vector<16xf32> to vector<1x16xf32>
      tpu.vector_store %arg11[%swap3A_596, %swap3A_597], %swap3A_600 {strides = array<i32>} : memref<256x128xf32, #tpu.memory_space<vmem>>, vector<1x16xf32>,
      %get3A_601 = arith.index_cast %add3A_529 : i32 to index
      %get3A_602 = arith.constant 64 : index
      %get3A_603 = tpu.vector_load %arg11[%get3A_601, %get3A_602] {strides = array<i32>} : memref<256x128xf32, #tpu.memory_space<vmem>>, vector<1x16xf32>,
      %get3A_604 = vector.shape_cast %get3A_603 : vector<1x16xf32> to vector<16xf32>
      %get3A_605 = arith.index_cast %scan3A_527 : i32 to index
      %get3A_606 = arith.constant 64 : index
      %get3A_607 = tpu.vector_load %arg12[%get3A_605, %get3A_606] {strides = array<i32>} : memref<64x128xf32, #tpu.memory_space<vmem>>, vector<1x16xf32>,
      %get3A_608 = vector.shape_cast %get3A_607 : vector<1x16xf32> to vector<16xf32>
      %add3A_609 = arith.addf %get3A_604, %get3A_608 : vector<16xf32>
      %mul3A_610 = arith.mulf %get3A_533, %sub3A_344 : vector<16xf32>
      %add3A_611 = arith.addf %get3A_300, %mul3A_610 : vector<16xf32>
      %add3A_612 = arith.addf %add3A_609, %add3A_611 : vector<16xf32>
      %swap3A_613 = arith.index_cast %add3A_529 : i32 to index
      %swap3A_614 = arith.constant 64 : index
      %swap3A_615 = tpu.vector_load %arg11[%swap3A_613, %swap3A_614] {strides = array<i32>} : memref<256x128xf32, #tpu.memory_space<vmem>>, vector<1x16xf32>,
      %swap3A_616 = vector.shape_cast %swap3A_615 : vector<1x16xf32> to vector<16xf32>
      %swap3A_617 = vector.shape_cast %add3A_612 : vector<16xf32> to vector<1x16xf32>
      tpu.vector_store %arg11[%swap3A_613, %swap3A_614], %swap3A_617 {strides = array<i32>} : memref<256x128xf32, #tpu.memory_space<vmem>>, vector<1x16xf32>,
      %get3A_618 = arith.index_cast %add3A_529 : i32 to index
      %get3A_619 = arith.constant 80 : index
      %get3A_620 = tpu.vector_load %arg11[%get3A_618, %get3A_619] {strides = array<i32>} : memref<256x128xf32, #tpu.memory_space<vmem>>, vector<1x16xf32>,
      %get3A_621 = vector.shape_cast %get3A_620 : vector<1x16xf32> to vector<16xf32>
      %get3A_622 = arith.index_cast %scan3A_527 : i32 to index
      %get3A_623 = arith.constant 80 : index
      %get3A_624 = tpu.vector_load %arg12[%get3A_622, %get3A_623] {strides = array<i32>} : memref<64x128xf32, #tpu.memory_space<vmem>>, vector<1x16xf32>,
      %get3A_625 = vector.shape_cast %get3A_624 : vector<1x16xf32> to vector<16xf32>
      %add3A_626 = arith.addf %get3A_621, %get3A_625 : vector<16xf32>
      %mul3A_627 = arith.mulf %get3A_533, %sub3A_350 : vector<16xf32>
      %add3A_628 = arith.addf %get3A_305, %mul3A_627 : vector<16xf32>
      %add3A_629 = arith.addf %add3A_626, %add3A_628 : vector<16xf32>
      %swap3A_630 = arith.index_cast %add3A_529 : i32 to index
      %swap3A_631 = arith.constant 80 : index
      %swap3A_632 = tpu.vector_load %arg11[%swap3A_630, %swap3A_631] {strides = array<i32>} : memref<256x128xf32, #tpu.memory_space<vmem>>, vector<1x16xf32>,
      %swap3A_633 = vector.shape_cast %swap3A_632 : vector<1x16xf32> to vector<16xf32>
      %swap3A_634 = vector.shape_cast %add3A_629 : vector<16xf32> to vector<1x16xf32>
      tpu.vector_store %arg11[%swap3A_630, %swap3A_631], %swap3A_634 {strides = array<i32>} : memref<256x128xf32, #tpu.memory_space<vmem>>, vector<1x16xf32>,
      %get3A_635 = arith.index_cast %add3A_529 : i32 to index
      %get3A_636 = arith.constant 96 : index
      %get3A_637 = tpu.vector_load %arg11[%get3A_635, %get3A_636] {strides = array<i32>} : memref<256x128xf32, #tpu.memory_space<vmem>>, vector<1x16xf32>,
      %get3A_638 = vector.shape_cast %get3A_637 : vector<1x16xf32> to vector<16xf32>
      %get3A_639 = arith.index_cast %scan3A_527 : i32 to index
      %get3A_640 = arith.constant 96 : index
      %get3A_641 = tpu.vector_load %arg12[%get3A_639, %get3A_640] {strides = array<i32>} : memref<64x128xf32, #tpu.memory_space<vmem>>, vector<1x16xf32>,
      %get3A_642 = vector.shape_cast %get3A_641 : vector<1x16xf32> to vector<16xf32>
      %add3A_643 = arith.addf %get3A_638, %get3A_642 : vector<16xf32>
      %mul3A_644 = arith.mulf %get3A_533, %sub3A_356 : vector<16xf32>
      %add3A_645 = arith.addf %get3A_310, %mul3A_644 : vector<16xf32>
      %add3A_646 = arith.addf %add3A_643, %add3A_645 : vector<16xf32>
      %swap3A_647 = arith.index_cast %add3A_529 : i32 to index
      %swap3A_648 = arith.constant 96 : index
      %swap3A_649 = tpu.vector_load %arg11[%swap3A_647, %swap3A_648] {strides = array<i32>} : memref<256x128xf32, #tpu.memory_space<vmem>>, vector<1x16xf32>,
      %swap3A_650 = vector.shape_cast %swap3A_649 : vector<1x16xf32> to vector<16xf32>
      %swap3A_651 = vector.shape_cast %add3A_646 : vector<16xf32> to vector<1x16xf32>
      tpu.vector_store %arg11[%swap3A_647, %swap3A_648], %swap3A_651 {strides = array<i32>} : memref<256x128xf32, #tpu.memory_space<vmem>>, vector<1x16xf32>,
      %get3A_652 = arith.index_cast %add3A_529 : i32 to index
      %get3A_653 = arith.constant 112 : index
      %get3A_654 = tpu.vector_load %arg11[%get3A_652, %get3A_653] {strides = array<i32>} : memref<256x128xf32, #tpu.memory_space<vmem>>, vector<1x16xf32>,
      %get3A_655 = vector.shape_cast %get3A_654 : vector<1x16xf32> to vector<16xf32>
      %get3A_656 = arith.index_cast %scan3A_527 : i32 to index
      %get3A_657 = arith.constant 112 : index
      %get3A_658 = tpu.vector_load %arg12[%get3A_656, %get3A_657] {strides = array<i32>} : memref<64x128xf32, #tpu.memory_space<vmem>>, vector<1x16xf32>,
      %get3A_659 = vector.shape_cast %get3A_658 : vector<1x16xf32> to vector<16xf32>
      %add3A_660 = arith.addf %get3A_655, %get3A_659 : vector<16xf32>
      %mul3A_661 = arith.mulf %get3A_533, %sub3A_362 : vector<16xf32>
      %add3A_662 = arith.addf %get3A_315, %mul3A_661 : vector<16xf32>
      %add3A_663 = arith.addf %add3A_660, %add3A_662 : vector<16xf32>
      %swap3A_664 = arith.index_cast %add3A_529 : i32 to index
      %swap3A_665 = arith.constant 112 : index
      %swap3A_666 = tpu.vector_load %arg11[%swap3A_664, %swap3A_665] {strides = array<i32>} : memref<256x128xf32, #tpu.memory_space<vmem>>, vector<1x16xf32>,
      %swap3A_667 = vector.shape_cast %swap3A_666 : vector<1x16xf32> to vector<16xf32>
      %swap3A_668 = vector.shape_cast %add3A_663 : vector<16xf32> to vector<1x16xf32>
      tpu.vector_store %arg11[%swap3A_664, %swap3A_665], %swap3A_668 {strides = array<i32>} : memref<256x128xf32, #tpu.memory_space<vmem>>, vector<1x16xf32>,
    }
    %scan3A_384 = arith.constant 64 : i32
    %add3A_385 = arith.constant 0 : i32
    %add3A_386 = arith.addi %add3A_385, %mul3A_2 : i32
    %dma_start3A_387 = arith.constant 0 : i32
    %dma_start3A_388 = arith.constant 0 : i32
    %dma_start3A_389 = tpu.memref_slice %arg11[%dma_start3A_387, %dma_start3A_388] : memref<256x128xf32, #tpu.memory_space<vmem>> -> memref<64x128xf32, #tpu.memory_space<vmem>>
    %dma_start3A_390 = arith.constant 0 : i32
    %dma_start3A_391 = tpu.memref_slice %arg7[%add3A_386, %dma_start3A_390] : memref<8192x128xf32, #tpu.memory_space<hbm>> -> memref<64x128xf32, #tpu.memory_space<hbm>>
    %dma_start3A_392 = arith.constant 0 : i32
    %dma_start3A_393 = tpu.memref_slice %arg7[%add3A_386, %dma_start3A_392] : memref<8192x128xf32, #tpu.memory_space<hbm>> -> memref<64x128xf32, #tpu.memory_space<hbm>>
    %dma_start3A_394 = arith.constant 0 : i32
    %dma_start3A_395 = arith.constant 0 : i32
    %dma_start3A_396 = tpu.memref_slice %arg11[%dma_start3A_394, %dma_start3A_395] : memref<256x128xf32, #tpu.memory_space<vmem>> -> memref<64x128xf32, #tpu.memory_space<vmem>>
    tpu.enqueue_dma source(%dma_start3A_396 : memref<64x128xf32, #tpu.memory_space<vmem>>) target(%dma_start3A_393 : memref<64x128xf32, #tpu.memory_space<hbm>>) target_semaphore(%arg19 : memref<!tpu.dma_semaphore, #tpu.memory_space<semaphore_mem>>)
    %dma_wait3A_397 = arith.constant 1 : i32
    %dma_wait3A_398 = arith.constant 1 : i32
    %dma_wait3A_399 = arith.constant 64 : i32
    %dma_wait3A_400 = arith.constant 0 : i32
    %dma_wait3A_401 = tpu.memref_slice %arg11[%dma_wait3A_399, %dma_wait3A_400] : memref<256x128xf32, #tpu.memory_space<vmem>> -> memref<64x128xf32, #tpu.memory_space<vmem>>
    %dma_wait3A_402 = arith.constant 0 : i32
    %dma_wait3A_403 = tpu.memref_slice %arg8[%dma_wait3A_397, %dma_wait3A_402] : memref<4x64xi32, #tpu.memory_space<vmem>> -> memref<1x64xi32, #tpu.memory_space<vmem>>
    %dma_wait3A_404 = tpu.memref_squeeze %dma_wait3A_403 : memref<1x64xi32, #tpu.memory_space<vmem>> -> memref<64xi32, #tpu.memory_space<vmem>>
    %dma_wait3A_405 = arith.constant 0 : i32
    %dma_wait3A_406 = arith.constant 0 : i32
    %dma_wait3A_407 = tpu.memref_slice %arg4[%dma_wait3A_405, %dma_wait3A_406] : memref<100000x128xf32, #tpu.memory_space<hbm>> -> memref<100000x128xf32, #tpu.memory_space<hbm>>
    %dma_wait3A_408 = tpu.memref_slice %arg14[%dma_wait3A_398] : memref<4x!tpu.dma_semaphore, #tpu.memory_space<semaphore_mem>> -> memref<1x!tpu.dma_semaphore, #tpu.memory_space<semaphore_mem>>
    %dma_wait3A_409 = tpu.memref_squeeze %dma_wait3A_408 : memref<1x!tpu.dma_semaphore, #tpu.memory_space<semaphore_mem>> -> memref<!tpu.dma_semaphore, #tpu.memory_space<semaphore_mem>>
    tpu.wait_indirect_dma semaphore(%dma_wait3A_409 : memref<!tpu.dma_semaphore, #tpu.memory_space<semaphore_mem>>) src(%dma_wait3A_407 : memref<100000x128xf32, #tpu.memory_space<hbm>>) dst(%dma_wait3A_401 : memref<64x128xf32, #tpu.memory_space<vmem>>)
    %scan3A_410 = arith.constant 0 : i32
    %scan3A_411 = arith.constant 64 : i32
    %scan3A_412 = arith.addi %scan3A_410, %scan3A_411 : i32
    %scan3A_413 = arith.constant 1 : i32
    scf.for %scan3A_527 = %scan3A_410 to %scan3A_412 step %scan3A_413  : i32 {
      %add3A_528 = arith.constant 64 : i32
      %add3A_529 = arith.addi %add3A_528, %scan3A_527 : i32
      %get3A_530 = arith.index_cast %add3A_529 : i32 to index
      %get3A_531 = arith.constant 0 : index
      %get3A_532 = tpu.vector_load %arg10[%get3A_530, %get3A_531] {strides = array<i32>} : memref<256x16xf32, #tpu.memory_space<vmem>>, vector<1x16xf32>,
      %get3A_533 = vector.shape_cast %get3A_532 : vector<1x16xf32> to vector<16xf32>
      %get3A_534 = arith.index_cast %add3A_529 : i32 to index
      %get3A_535 = arith.constant 0 : index
      %get3A_536 = tpu.vector_load %arg11[%get3A_534, %get3A_535] {strides = array<i32>} : memref<256x128xf32, #tpu.memory_space<vmem>>, vector<1x16xf32>,
      %get3A_537 = vector.shape_cast %get3A_536 : vector<1x16xf32> to vector<16xf32>
      %get3A_538 = arith.index_cast %scan3A_527 : i32 to index
      %get3A_539 = arith.constant 0 : index
      %get3A_540 = tpu.vector_load %arg12[%get3A_538, %get3A_539] {strides = array<i32>} : memref<64x128xf32, #tpu.memory_space<vmem>>, vector<1x16xf32>,
      %get3A_541 = vector.shape_cast %get3A_540 : vector<1x16xf32> to vector<16xf32>
      %add3A_542 = arith.addf %get3A_537, %get3A_541 : vector<16xf32>
      %mul3A_543 = arith.mulf %get3A_533, %sub3A : vector<16xf32>
      %add3A_544 = arith.addf %get3A_280, %mul3A_543 : vector<16xf32>
      %add3A_545 = arith.addf %add3A_542, %add3A_544 : vector<16xf32>
      %swap3A = arith.index_cast %add3A_529 : i32 to index
      %swap3A_546 = arith.constant 0 : index
      %swap3A_547 = tpu.vector_load %arg11[%swap3A, %swap3A_546] {strides = array<i32>} : memref<256x128xf32, #tpu.memory_space<vmem>>, vector<1x16xf32>,
      %swap3A_548 = vector.shape_cast %swap3A_547 : vector<1x16xf32> to vector<16xf32>
      %swap3A_549 = vector.shape_cast %add3A_545 : vector<16xf32> to vector<1x16xf32>
      tpu.vector_store %arg11[%swap3A, %swap3A_546], %swap3A_549 {strides = array<i32>} : memref<256x128xf32, #tpu.memory_space<vmem>>, vector<1x16xf32>,
      %get3A_550 = arith.index_cast %add3A_529 : i32 to index
      %get3A_551 = arith.constant 16 : index
      %get3A_552 = tpu.vector_load %arg11[%get3A_550, %get3A_551] {strides = array<i32>} : memref<256x128xf32, #tpu.memory_space<vmem>>, vector<1x16xf32>,
      %get3A_553 = vector.shape_cast %get3A_552 : vector<1x16xf32> to vector<16xf32>
      %get3A_554 = arith.index_cast %scan3A_527 : i32 to index
      %get3A_555 = arith.constant 16 : index
      %get3A_556 = tpu.vector_load %arg12[%get3A_554, %get3A_555] {strides = array<i32>} : memref<64x128xf32, #tpu.memory_space<vmem>>, vector<1x16xf32>,
      %get3A_557 = vector.shape_cast %get3A_556 : vector<1x16xf32> to vector<16xf32>
      %add3A_558 = arith.addf %get3A_553, %get3A_557 : vector<16xf32>
      %mul3A_559 = arith.mulf %get3A_533, %sub3A_326 : vector<16xf32>
      %add3A_560 = arith.addf %get3A_285, %mul3A_559 : vector<16xf32>
      %add3A_561 = arith.addf %add3A_558, %add3A_560 : vector<16xf32>
      %swap3A_562 = arith.index_cast %add3A_529 : i32 to index
      %swap3A_563 = arith.constant 16 : index
      %swap3A_564 = tpu.vector_load %arg11[%swap3A_562, %swap3A_563] {strides = array<i32>} : memref<256x128xf32, #tpu.memory_space<vmem>>, vector<1x16xf32>,
      %swap3A_565 = vector.shape_cast %swap3A_564 : vector<1x16xf32> to vector<16xf32>
      %swap3A_566 = vector.shape_cast %add3A_561 : vector<16xf32> to vector<1x16xf32>
      tpu.vector_store %arg11[%swap3A_562, %swap3A_563], %swap3A_566 {strides = array<i32>} : memref<256x128xf32, #tpu.memory_space<vmem>>, vector<1x16xf32>,
      %get3A_567 = arith.index_cast %add3A_529 : i32 to index
      %get3A_568 = arith.constant 32 : index
      %get3A_569 = tpu.vector_load %arg11[%get3A_567, %get3A_568] {strides = array<i32>} : memref<256x128xf32, #tpu.memory_space<vmem>>, vector<1x16xf32>,
      %get3A_570 = vector.shape_cast %get3A_569 : vector<1x16xf32> to vector<16xf32>
      %get3A_571 = arith.index_cast %scan3A_527 : i32 to index
      %get3A_572 = arith.constant 32 : index
      %get3A_573 = tpu.vector_load %arg12[%get3A_571, %get3A_572] {strides = array<i32>} : memref<64x128xf32, #tpu.memory_space<vmem>>, vector<1x16xf32>,
      %get3A_574 = vector.shape_cast %get3A_573 : vector<1x16xf32> to vector<16xf32>
      %add3A_575 = arith.addf %get3A_570, %get3A_574 : vector<16xf32>
      %mul3A_576 = arith.mulf %get3A_533, %sub3A_332 : vector<16xf32>
      %add3A_577 = arith.addf %get3A_290, %mul3A_576 : vector<16xf32>
      %add3A_578 = arith.addf %add3A_575, %add3A_577 : vector<16xf32>
      %swap3A_579 = arith.index_cast %add3A_529 : i32 to index
      %swap3A_580 = arith.constant 32 : index
      %swap3A_581 = tpu.vector_load %arg11[%swap3A_579, %swap3A_580] {strides = array<i32>} : memref<256x128xf32, #tpu.memory_space<vmem>>, vector<1x16xf32>,
      %swap3A_582 = vector.shape_cast %swap3A_581 : vector<1x16xf32> to vector<16xf32>
      %swap3A_583 = vector.shape_cast %add3A_578 : vector<16xf32> to vector<1x16xf32>
      tpu.vector_store %arg11[%swap3A_579, %swap3A_580], %swap3A_583 {strides = array<i32>} : memref<256x128xf32, #tpu.memory_space<vmem>>, vector<1x16xf32>,
      %get3A_584 = arith.index_cast %add3A_529 : i32 to index
      %get3A_585 = arith.constant 48 : index
      %get3A_586 = tpu.vector_load %arg11[%get3A_584, %get3A_585] {strides = array<i32>} : memref<256x128xf32, #tpu.memory_space<vmem>>, vector<1x16xf32>,
      %get3A_587 = vector.shape_cast %get3A_586 : vector<1x16xf32> to vector<16xf32>
      %get3A_588 = arith.index_cast %scan3A_527 : i32 to index
      %get3A_589 = arith.constant 48 : index
      %get3A_590 = tpu.vector_load %arg12[%get3A_588, %get3A_589] {strides = array<i32>} : memref<64x128xf32, #tpu.memory_space<vmem>>, vector<1x16xf32>,
      %get3A_591 = vector.shape_cast %get3A_590 : vector<1x16xf32> to vector<16xf32>
      %add3A_592 = arith.addf %get3A_587, %get3A_591 : vector<16xf32>
      %mul3A_593 = arith.mulf %get3A_533, %sub3A_338 : vector<16xf32>
      %add3A_594 = arith.addf %get3A_295, %mul3A_593 : vector<16xf32>
      %add3A_595 = arith.addf %add3A_592, %add3A_594 : vector<16xf32>
      %swap3A_596 = arith.index_cast %add3A_529 : i32 to index
      %swap3A_597 = arith.constant 48 : index
      %swap3A_598 = tpu.vector_load %arg11[%swap3A_596, %swap3A_597] {strides = array<i32>} : memref<256x128xf32, #tpu.memory_space<vmem>>, vector<1x16xf32>,
      %swap3A_599 = vector.shape_cast %swap3A_598 : vector<1x16xf32> to vector<16xf32>
      %swap3A_600 = vector.shape_cast %add3A_595 : vector<16xf32> to vector<1x16xf32>
      tpu.vector_store %arg11[%swap3A_596, %swap3A_597], %swap3A_600 {strides = array<i32>} : memref<256x128xf32, #tpu.memory_space<vmem>>, vector<1x16xf32>,
      %get3A_601 = arith.index_cast %add3A_529 : i32 to index
      %get3A_602 = arith.constant 64 : index
      %get3A_603 = tpu.vector_load %arg11[%get3A_601, %get3A_602] {strides = array<i32>} : memref<256x128xf32, #tpu.memory_space<vmem>>, vector<1x16xf32>,
      %get3A_604 = vector.shape_cast %get3A_603 : vector<1x16xf32> to vector<16xf32>
      %get3A_605 = arith.index_cast %scan3A_527 : i32 to index
      %get3A_606 = arith.constant 64 : index
      %get3A_607 = tpu.vector_load %arg12[%get3A_605, %get3A_606] {strides = array<i32>} : memref<64x128xf32, #tpu.memory_space<vmem>>, vector<1x16xf32>,
      %get3A_608 = vector.shape_cast %get3A_607 : vector<1x16xf32> to vector<16xf32>
      %add3A_609 = arith.addf %get3A_604, %get3A_608 : vector<16xf32>
      %mul3A_610 = arith.mulf %get3A_533, %sub3A_344 : vector<16xf32>
      %add3A_611 = arith.addf %get3A_300, %mul3A_610 : vector<16xf32>
      %add3A_612 = arith.addf %add3A_609, %add3A_611 : vector<16xf32>
      %swap3A_613 = arith.index_cast %add3A_529 : i32 to index
      %swap3A_614 = arith.constant 64 : index
      %swap3A_615 = tpu.vector_load %arg11[%swap3A_613, %swap3A_614] {strides = array<i32>} : memref<256x128xf32, #tpu.memory_space<vmem>>, vector<1x16xf32>,
      %swap3A_616 = vector.shape_cast %swap3A_615 : vector<1x16xf32> to vector<16xf32>
      %swap3A_617 = vector.shape_cast %add3A_612 : vector<16xf32> to vector<1x16xf32>
      tpu.vector_store %arg11[%swap3A_613, %swap3A_614], %swap3A_617 {strides = array<i32>} : memref<256x128xf32, #tpu.memory_space<vmem>>, vector<1x16xf32>,
      %get3A_618 = arith.index_cast %add3A_529 : i32 to index
      %get3A_619 = arith.constant 80 : index
      %get3A_620 = tpu.vector_load %arg11[%get3A_618, %get3A_619] {strides = array<i32>} : memref<256x128xf32, #tpu.memory_space<vmem>>, vector<1x16xf32>,
      %get3A_621 = vector.shape_cast %get3A_620 : vector<1x16xf32> to vector<16xf32>
      %get3A_622 = arith.index_cast %scan3A_527 : i32 to index
      %get3A_623 = arith.constant 80 : index
      %get3A_624 = tpu.vector_load %arg12[%get3A_622, %get3A_623] {strides = array<i32>} : memref<64x128xf32, #tpu.memory_space<vmem>>, vector<1x16xf32>,
      %get3A_625 = vector.shape_cast %get3A_624 : vector<1x16xf32> to vector<16xf32>
      %add3A_626 = arith.addf %get3A_621, %get3A_625 : vector<16xf32>
      %mul3A_627 = arith.mulf %get3A_533, %sub3A_350 : vector<16xf32>
      %add3A_628 = arith.addf %get3A_305, %mul3A_627 : vector<16xf32>
      %add3A_629 = arith.addf %add3A_626, %add3A_628 : vector<16xf32>
      %swap3A_630 = arith.index_cast %add3A_529 : i32 to index
      %swap3A_631 = arith.constant 80 : index
      %swap3A_632 = tpu.vector_load %arg11[%swap3A_630, %swap3A_631] {strides = array<i32>} : memref<256x128xf32, #tpu.memory_space<vmem>>, vector<1x16xf32>,
      %swap3A_633 = vector.shape_cast %swap3A_632 : vector<1x16xf32> to vector<16xf32>
      %swap3A_634 = vector.shape_cast %add3A_629 : vector<16xf32> to vector<1x16xf32>
      tpu.vector_store %arg11[%swap3A_630, %swap3A_631], %swap3A_634 {strides = array<i32>} : memref<256x128xf32, #tpu.memory_space<vmem>>, vector<1x16xf32>,
      %get3A_635 = arith.index_cast %add3A_529 : i32 to index
      %get3A_636 = arith.constant 96 : index
      %get3A_637 = tpu.vector_load %arg11[%get3A_635, %get3A_636] {strides = array<i32>} : memref<256x128xf32, #tpu.memory_space<vmem>>, vector<1x16xf32>,
      %get3A_638 = vector.shape_cast %get3A_637 : vector<1x16xf32> to vector<16xf32>
      %get3A_639 = arith.index_cast %scan3A_527 : i32 to index
      %get3A_640 = arith.constant 96 : index
      %get3A_641 = tpu.vector_load %arg12[%get3A_639, %get3A_640] {strides = array<i32>} : memref<64x128xf32, #tpu.memory_space<vmem>>, vector<1x16xf32>,
      %get3A_642 = vector.shape_cast %get3A_641 : vector<1x16xf32> to vector<16xf32>
      %add3A_643 = arith.addf %get3A_638, %get3A_642 : vector<16xf32>
      %mul3A_644 = arith.mulf %get3A_533, %sub3A_356 : vector<16xf32>
      %add3A_645 = arith.addf %get3A_310, %mul3A_644 : vector<16xf32>
      %add3A_646 = arith.addf %add3A_643, %add3A_645 : vector<16xf32>
      %swap3A_647 = arith.index_cast %add3A_529 : i32 to index
      %swap3A_648 = arith.constant 96 : index
      %swap3A_649 = tpu.vector_load %arg11[%swap3A_647, %swap3A_648] {strides = array<i32>} : memref<256x128xf32, #tpu.memory_space<vmem>>, vector<1x16xf32>,
      %swap3A_650 = vector.shape_cast %swap3A_649 : vector<1x16xf32> to vector<16xf32>
      %swap3A_651 = vector.shape_cast %add3A_646 : vector<16xf32> to vector<1x16xf32>
      tpu.vector_store %arg11[%swap3A_647, %swap3A_648], %swap3A_651 {strides = array<i32>} : memref<256x128xf32, #tpu.memory_space<vmem>>, vector<1x16xf32>,
      %get3A_652 = arith.index_cast %add3A_529 : i32 to index
      %get3A_653 = arith.constant 112 : index
      %get3A_654 = tpu.vector_load %arg11[%get3A_652, %get3A_653] {strides = array<i32>} : memref<256x128xf32, #tpu.memory_space<vmem>>, vector<1x16xf32>,
      %get3A_655 = vector.shape_cast %get3A_654 : vector<1x16xf32> to vector<16xf32>
      %get3A_656 = arith.index_cast %scan3A_527 : i32 to index
      %get3A_657 = arith.constant 112 : index
      %get3A_658 = tpu.vector_load %arg12[%get3A_656, %get3A_657] {strides = array<i32>} : memref<64x128xf32, #tpu.memory_space<vmem>>, vector<1x16xf32>,
      %get3A_659 = vector.shape_cast %get3A_658 : vector<1x16xf32> to vector<16xf32>
      %add3A_660 = arith.addf %get3A_655, %get3A_659 : vector<16xf32>
      %mul3A_661 = arith.mulf %get3A_533, %sub3A_362 : vector<16xf32>
      %add3A_662 = arith.addf %get3A_315, %mul3A_661 : vector<16xf32>
      %add3A_663 = arith.addf %add3A_660, %add3A_662 : vector<16xf32>
      %swap3A_664 = arith.index_cast %add3A_529 : i32 to index
      %swap3A_665 = arith.constant 112 : index
      %swap3A_666 = tpu.vector_load %arg11[%swap3A_664, %swap3A_665] {strides = array<i32>} : memref<256x128xf32, #tpu.memory_space<vmem>>, vector<1x16xf32>,
      %swap3A_667 = vector.shape_cast %swap3A_666 : vector<1x16xf32> to vector<16xf32>
      %swap3A_668 = vector.shape_cast %add3A_663 : vector<16xf32> to vector<1x16xf32>
      tpu.vector_store %arg11[%swap3A_664, %swap3A_665], %swap3A_668 {strides = array<i32>} : memref<256x128xf32, #tpu.memory_space<vmem>>, vector<1x16xf32>,
    }
    %scan3A_414 = arith.constant 64 : i32
    %add3A_415 = arith.constant 2048 : i32
    %add3A_416 = arith.addi %add3A_415, %mul3A_2 : i32
    %dma_start3A_417 = arith.constant 64 : i32
    %dma_start3A_418 = arith.constant 0 : i32
    %dma_start3A_419 = tpu.memref_slice %arg11[%dma_start3A_417, %dma_start3A_418] : memref<256x128xf32, #tpu.memory_space<vmem>> -> memref<64x128xf32, #tpu.memory_space<vmem>>
    %dma_start3A_420 = arith.constant 0 : i32
    %dma_start3A_421 = tpu.memref_slice %arg7[%add3A_416, %dma_start3A_420] : memref<8192x128xf32, #tpu.memory_space<hbm>> -> memref<64x128xf32, #tpu.memory_space<hbm>>
    %dma_start3A_422 = arith.constant 0 : i32
    %dma_start3A_423 = tpu.memref_slice %arg7[%add3A_416, %dma_start3A_422] : memref<8192x128xf32, #tpu.memory_space<hbm>> -> memref<64x128xf32, #tpu.memory_space<hbm>>
    %dma_start3A_424 = arith.constant 64 : i32
    %dma_start3A_425 = arith.constant 0 : i32
    %dma_start3A_426 = tpu.memref_slice %arg11[%dma_start3A_424, %dma_start3A_425] : memref<256x128xf32, #tpu.memory_space<vmem>> -> memref<64x128xf32, #tpu.memory_space<vmem>>
    tpu.enqueue_dma source(%dma_start3A_426 : memref<64x128xf32, #tpu.memory_space<vmem>>) target(%dma_start3A_423 : memref<64x128xf32, #tpu.memory_space<hbm>>) target_semaphore(%arg19 : memref<!tpu.dma_semaphore, #tpu.memory_space<semaphore_mem>>)
    %dma_wait3A_427 = arith.constant 2 : i32
    %dma_wait3A_428 = arith.constant 2 : i32
    %dma_wait3A_429 = arith.constant 128 : i32
    %dma_wait3A_430 = arith.constant 0 : i32
    %dma_wait3A_431 = tpu.memref_slice %arg11[%dma_wait3A_429, %dma_wait3A_430] : memref<256x128xf32, #tpu.memory_space<vmem>> -> memref<64x128xf32, #tpu.memory_space<vmem>>
    %dma_wait3A_432 = arith.constant 0 : i32
    %dma_wait3A_433 = tpu.memref_slice %arg8[%dma_wait3A_427, %dma_wait3A_432] : memref<4x64xi32, #tpu.memory_space<vmem>> -> memref<1x64xi32, #tpu.memory_space<vmem>>
    %dma_wait3A_434 = tpu.memref_squeeze %dma_wait3A_433 : memref<1x64xi32, #tpu.memory_space<vmem>> -> memref<64xi32, #tpu.memory_space<vmem>>
    %dma_wait3A_435 = arith.constant 0 : i32
    %dma_wait3A_436 = arith.constant 0 : i32
    %dma_wait3A_437 = tpu.memref_slice %arg4[%dma_wait3A_435, %dma_wait3A_436] : memref<100000x128xf32, #tpu.memory_space<hbm>> -> memref<100000x128xf32, #tpu.memory_space<hbm>>
    %dma_wait3A_438 = tpu.memref_slice %arg14[%dma_wait3A_428] : memref<4x!tpu.dma_semaphore, #tpu.memory_space<semaphore_mem>> -> memref<1x!tpu.dma_semaphore, #tpu.memory_space<semaphore_mem>>
    %dma_wait3A_439 = tpu.memref_squeeze %dma_wait3A_438 : memref<1x!tpu.dma_semaphore, #tpu.memory_space<semaphore_mem>> -> memref<!tpu.dma_semaphore, #tpu.memory_space<semaphore_mem>>
    tpu.wait_indirect_dma semaphore(%dma_wait3A_439 : memref<!tpu.dma_semaphore, #tpu.memory_space<semaphore_mem>>) src(%dma_wait3A_437 : memref<100000x128xf32, #tpu.memory_space<hbm>>) dst(%dma_wait3A_431 : memref<64x128xf32, #tpu.memory_space<vmem>>)
    %scan3A_440 = arith.constant 0 : i32
    %scan3A_441 = arith.constant 64 : i32
    %scan3A_442 = arith.addi %scan3A_440, %scan3A_441 : i32
    %scan3A_443 = arith.constant 1 : i32
    scf.for %scan3A_527 = %scan3A_440 to %scan3A_442 step %scan3A_443  : i32 {
      %add3A_528 = arith.constant 128 : i32
      %add3A_529 = arith.addi %add3A_528, %scan3A_527 : i32
      %get3A_530 = arith.index_cast %add3A_529 : i32 to index
      %get3A_531 = arith.constant 0 : index
      %get3A_532 = tpu.vector_load %arg10[%get3A_530, %get3A_531] {strides = array<i32>} : memref<256x16xf32, #tpu.memory_space<vmem>>, vector<1x16xf32>,
      %get3A_533 = vector.shape_cast %get3A_532 : vector<1x16xf32> to vector<16xf32>
      %get3A_534 = arith.index_cast %add3A_529 : i32 to index
      %get3A_535 = arith.constant 0 : index
      %get3A_536 = tpu.vector_load %arg11[%get3A_534, %get3A_535] {strides = array<i32>} : memref<256x128xf32, #tpu.memory_space<vmem>>, vector<1x16xf32>,
      %get3A_537 = vector.shape_cast %get3A_536 : vector<1x16xf32> to vector<16xf32>
      %get3A_538 = arith.index_cast %scan3A_527 : i32 to index
      %get3A_539 = arith.constant 0 : index
      %get3A_540 = tpu.vector_load %arg12[%get3A_538, %get3A_539] {strides = array<i32>} : memref<64x128xf32, #tpu.memory_space<vmem>>, vector<1x16xf32>,
      %get3A_541 = vector.shape_cast %get3A_540 : vector<1x16xf32> to vector<16xf32>
      %add3A_542 = arith.addf %get3A_537, %get3A_541 : vector<16xf32>
      %mul3A_543 = arith.mulf %get3A_533, %sub3A : vector<16xf32>
      %add3A_544 = arith.addf %get3A_280, %mul3A_543 : vector<16xf32>
      %add3A_545 = arith.addf %add3A_542, %add3A_544 : vector<16xf32>
      %swap3A = arith.index_cast %add3A_529 : i32 to index
      %swap3A_546 = arith.constant 0 : index
      %swap3A_547 = tpu.vector_load %arg11[%swap3A, %swap3A_546] {strides = array<i32>} : memref<256x128xf32, #tpu.memory_space<vmem>>, vector<1x16xf32>,
      %swap3A_548 = vector.shape_cast %swap3A_547 : vector<1x16xf32> to vector<16xf32>
      %swap3A_549 = vector.shape_cast %add3A_545 : vector<16xf32> to vector<1x16xf32>
      tpu.vector_store %arg11[%swap3A, %swap3A_546], %swap3A_549 {strides = array<i32>} : memref<256x128xf32, #tpu.memory_space<vmem>>, vector<1x16xf32>,
      %get3A_550 = arith.index_cast %add3A_529 : i32 to index
      %get3A_551 = arith.constant 16 : index
      %get3A_552 = tpu.vector_load %arg11[%get3A_550, %get3A_551] {strides = array<i32>} : memref<256x128xf32, #tpu.memory_space<vmem>>, vector<1x16xf32>,
      %get3A_553 = vector.shape_cast %get3A_552 : vector<1x16xf32> to vector<16xf32>
      %get3A_554 = arith.index_cast %scan3A_527 : i32 to index
      %get3A_555 = arith.constant 16 : index
      %get3A_556 = tpu.vector_load %arg12[%get3A_554, %get3A_555] {strides = array<i32>} : memref<64x128xf32, #tpu.memory_space<vmem>>, vector<1x16xf32>,
      %get3A_557 = vector.shape_cast %get3A_556 : vector<1x16xf32> to vector<16xf32>
      %add3A_558 = arith.addf %get3A_553, %get3A_557 : vector<16xf32>
      %mul3A_559 = arith.mulf %get3A_533, %sub3A_326 : vector<16xf32>
      %add3A_560 = arith.addf %get3A_285, %mul3A_559 : vector<16xf32>
      %add3A_561 = arith.addf %add3A_558, %add3A_560 : vector<16xf32>
      %swap3A_562 = arith.index_cast %add3A_529 : i32 to index
      %swap3A_563 = arith.constant 16 : index
      %swap3A_564 = tpu.vector_load %arg11[%swap3A_562, %swap3A_563] {strides = array<i32>} : memref<256x128xf32, #tpu.memory_space<vmem>>, vector<1x16xf32>,
      %swap3A_565 = vector.shape_cast %swap3A_564 : vector<1x16xf32> to vector<16xf32>
      %swap3A_566 = vector.shape_cast %add3A_561 : vector<16xf32> to vector<1x16xf32>
      tpu.vector_store %arg11[%swap3A_562, %swap3A_563], %swap3A_566 {strides = array<i32>} : memref<256x128xf32, #tpu.memory_space<vmem>>, vector<1x16xf32>,
      %get3A_567 = arith.index_cast %add3A_529 : i32 to index
      %get3A_568 = arith.constant 32 : index
      %get3A_569 = tpu.vector_load %arg11[%get3A_567, %get3A_568] {strides = array<i32>} : memref<256x128xf32, #tpu.memory_space<vmem>>, vector<1x16xf32>,
      %get3A_570 = vector.shape_cast %get3A_569 : vector<1x16xf32> to vector<16xf32>
      %get3A_571 = arith.index_cast %scan3A_527 : i32 to index
      %get3A_572 = arith.constant 32 : index
      %get3A_573 = tpu.vector_load %arg12[%get3A_571, %get3A_572] {strides = array<i32>} : memref<64x128xf32, #tpu.memory_space<vmem>>, vector<1x16xf32>,
      %get3A_574 = vector.shape_cast %get3A_573 : vector<1x16xf32> to vector<16xf32>
      %add3A_575 = arith.addf %get3A_570, %get3A_574 : vector<16xf32>
      %mul3A_576 = arith.mulf %get3A_533, %sub3A_332 : vector<16xf32>
      %add3A_577 = arith.addf %get3A_290, %mul3A_576 : vector<16xf32>
      %add3A_578 = arith.addf %add3A_575, %add3A_577 : vector<16xf32>
      %swap3A_579 = arith.index_cast %add3A_529 : i32 to index
      %swap3A_580 = arith.constant 32 : index
      %swap3A_581 = tpu.vector_load %arg11[%swap3A_579, %swap3A_580] {strides = array<i32>} : memref<256x128xf32, #tpu.memory_space<vmem>>, vector<1x16xf32>,
      %swap3A_582 = vector.shape_cast %swap3A_581 : vector<1x16xf32> to vector<16xf32>
      %swap3A_583 = vector.shape_cast %add3A_578 : vector<16xf32> to vector<1x16xf32>
      tpu.vector_store %arg11[%swap3A_579, %swap3A_580], %swap3A_583 {strides = array<i32>} : memref<256x128xf32, #tpu.memory_space<vmem>>, vector<1x16xf32>,
      %get3A_584 = arith.index_cast %add3A_529 : i32 to index
      %get3A_585 = arith.constant 48 : index
      %get3A_586 = tpu.vector_load %arg11[%get3A_584, %get3A_585] {strides = array<i32>} : memref<256x128xf32, #tpu.memory_space<vmem>>, vector<1x16xf32>,
      %get3A_587 = vector.shape_cast %get3A_586 : vector<1x16xf32> to vector<16xf32>
      %get3A_588 = arith.index_cast %scan3A_527 : i32 to index
      %get3A_589 = arith.constant 48 : index
      %get3A_590 = tpu.vector_load %arg12[%get3A_588, %get3A_589] {strides = array<i32>} : memref<64x128xf32, #tpu.memory_space<vmem>>, vector<1x16xf32>,
      %get3A_591 = vector.shape_cast %get3A_590 : vector<1x16xf32> to vector<16xf32>
      %add3A_592 = arith.addf %get3A_587, %get3A_591 : vector<16xf32>
      %mul3A_593 = arith.mulf %get3A_533, %sub3A_338 : vector<16xf32>
      %add3A_594 = arith.addf %get3A_295, %mul3A_593 : vector<16xf32>
      %add3A_595 = arith.addf %add3A_592, %add3A_594 : vector<16xf32>
      %swap3A_596 = arith.index_cast %add3A_529 : i32 to index
      %swap3A_597 = arith.constant 48 : index
      %swap3A_598 = tpu.vector_load %arg11[%swap3A_596, %swap3A_597] {strides = array<i32>} : memref<256x128xf32, #tpu.memory_space<vmem>>, vector<1x16xf32>,
      %swap3A_599 = vector.shape_cast %swap3A_598 : vector<1x16xf32> to vector<16xf32>
      %swap3A_600 = vector.shape_cast %add3A_595 : vector<16xf32> to vector<1x16xf32>
      tpu.vector_store %arg11[%swap3A_596, %swap3A_597], %swap3A_600 {strides = array<i32>} : memref<256x128xf32, #tpu.memory_space<vmem>>, vector<1x16xf32>,
      %get3A_601 = arith.index_cast %add3A_529 : i32 to index
      %get3A_602 = arith.constant 64 : index
      %get3A_603 = tpu.vector_load %arg11[%get3A_601, %get3A_602] {strides = array<i32>} : memref<256x128xf32, #tpu.memory_space<vmem>>, vector<1x16xf32>,
      %get3A_604 = vector.shape_cast %get3A_603 : vector<1x16xf32> to vector<16xf32>
      %get3A_605 = arith.index_cast %scan3A_527 : i32 to index
      %get3A_606 = arith.constant 64 : index
      %get3A_607 = tpu.vector_load %arg12[%get3A_605, %get3A_606] {strides = array<i32>} : memref<64x128xf32, #tpu.memory_space<vmem>>, vector<1x16xf32>,
      %get3A_608 = vector.shape_cast %get3A_607 : vector<1x16xf32> to vector<16xf32>
      %add3A_609 = arith.addf %get3A_604, %get3A_608 : vector<16xf32>
      %mul3A_610 = arith.mulf %get3A_533, %sub3A_344 : vector<16xf32>
      %add3A_611 = arith.addf %get3A_300, %mul3A_610 : vector<16xf32>
      %add3A_612 = arith.addf %add3A_609, %add3A_611 : vector<16xf32>
      %swap3A_613 = arith.index_cast %add3A_529 : i32 to index
      %swap3A_614 = arith.constant 64 : index
      %swap3A_615 = tpu.vector_load %arg11[%swap3A_613, %swap3A_614] {strides = array<i32>} : memref<256x128xf32, #tpu.memory_space<vmem>>, vector<1x16xf32>,
      %swap3A_616 = vector.shape_cast %swap3A_615 : vector<1x16xf32> to vector<16xf32>
      %swap3A_617 = vector.shape_cast %add3A_612 : vector<16xf32> to vector<1x16xf32>
      tpu.vector_store %arg11[%swap3A_613, %swap3A_614], %swap3A_617 {strides = array<i32>} : memref<256x128xf32, #tpu.memory_space<vmem>>, vector<1x16xf32>,
      %get3A_618 = arith.index_cast %add3A_529 : i32 to index
      %get3A_619 = arith.constant 80 : index
      %get3A_620 = tpu.vector_load %arg11[%get3A_618, %get3A_619] {strides = array<i32>} : memref<256x128xf32, #tpu.memory_space<vmem>>, vector<1x16xf32>,
      %get3A_621 = vector.shape_cast %get3A_620 : vector<1x16xf32> to vector<16xf32>
      %get3A_622 = arith.index_cast %scan3A_527 : i32 to index
      %get3A_623 = arith.constant 80 : index
      %get3A_624 = tpu.vector_load %arg12[%get3A_622, %get3A_623] {strides = array<i32>} : memref<64x128xf32, #tpu.memory_space<vmem>>, vector<1x16xf32>,
      %get3A_625 = vector.shape_cast %get3A_624 : vector<1x16xf32> to vector<16xf32>
      %add3A_626 = arith.addf %get3A_621, %get3A_625 : vector<16xf32>
      %mul3A_627 = arith.mulf %get3A_533, %sub3A_350 : vector<16xf32>
      %add3A_628 = arith.addf %get3A_305, %mul3A_627 : vector<16xf32>
      %add3A_629 = arith.addf %add3A_626, %add3A_628 : vector<16xf32>
      %swap3A_630 = arith.index_cast %add3A_529 : i32 to index
      %swap3A_631 = arith.constant 80 : index
      %swap3A_632 = tpu.vector_load %arg11[%swap3A_630, %swap3A_631] {strides = array<i32>} : memref<256x128xf32, #tpu.memory_space<vmem>>, vector<1x16xf32>,
      %swap3A_633 = vector.shape_cast %swap3A_632 : vector<1x16xf32> to vector<16xf32>
      %swap3A_634 = vector.shape_cast %add3A_629 : vector<16xf32> to vector<1x16xf32>
      tpu.vector_store %arg11[%swap3A_630, %swap3A_631], %swap3A_634 {strides = array<i32>} : memref<256x128xf32, #tpu.memory_space<vmem>>, vector<1x16xf32>,
      %get3A_635 = arith.index_cast %add3A_529 : i32 to index
      %get3A_636 = arith.constant 96 : index
      %get3A_637 = tpu.vector_load %arg11[%get3A_635, %get3A_636] {strides = array<i32>} : memref<256x128xf32, #tpu.memory_space<vmem>>, vector<1x16xf32>,
      %get3A_638 = vector.shape_cast %get3A_637 : vector<1x16xf32> to vector<16xf32>
      %get3A_639 = arith.index_cast %scan3A_527 : i32 to index
      %get3A_640 = arith.constant 96 : index
      %get3A_641 = tpu.vector_load %arg12[%get3A_639, %get3A_640] {strides = array<i32>} : memref<64x128xf32, #tpu.memory_space<vmem>>, vector<1x16xf32>,
      %get3A_642 = vector.shape_cast %get3A_641 : vector<1x16xf32> to vector<16xf32>
      %add3A_643 = arith.addf %get3A_638, %get3A_642 : vector<16xf32>
      %mul3A_644 = arith.mulf %get3A_533, %sub3A_356 : vector<16xf32>
      %add3A_645 = arith.addf %get3A_310, %mul3A_644 : vector<16xf32>
      %add3A_646 = arith.addf %add3A_643, %add3A_645 : vector<16xf32>
      %swap3A_647 = arith.index_cast %add3A_529 : i32 to index
      %swap3A_648 = arith.constant 96 : index
      %swap3A_649 = tpu.vector_load %arg11[%swap3A_647, %swap3A_648] {strides = array<i32>} : memref<256x128xf32, #tpu.memory_space<vmem>>, vector<1x16xf32>,
      %swap3A_650 = vector.shape_cast %swap3A_649 : vector<1x16xf32> to vector<16xf32>
      %swap3A_651 = vector.shape_cast %add3A_646 : vector<16xf32> to vector<1x16xf32>
      tpu.vector_store %arg11[%swap3A_647, %swap3A_648], %swap3A_651 {strides = array<i32>} : memref<256x128xf32, #tpu.memory_space<vmem>>, vector<1x16xf32>,
      %get3A_652 = arith.index_cast %add3A_529 : i32 to index
      %get3A_653 = arith.constant 112 : index
      %get3A_654 = tpu.vector_load %arg11[%get3A_652, %get3A_653] {strides = array<i32>} : memref<256x128xf32, #tpu.memory_space<vmem>>, vector<1x16xf32>,
      %get3A_655 = vector.shape_cast %get3A_654 : vector<1x16xf32> to vector<16xf32>
      %get3A_656 = arith.index_cast %scan3A_527 : i32 to index
      %get3A_657 = arith.constant 112 : index
      %get3A_658 = tpu.vector_load %arg12[%get3A_656, %get3A_657] {strides = array<i32>} : memref<64x128xf32, #tpu.memory_space<vmem>>, vector<1x16xf32>,
      %get3A_659 = vector.shape_cast %get3A_658 : vector<1x16xf32> to vector<16xf32>
      %add3A_660 = arith.addf %get3A_655, %get3A_659 : vector<16xf32>
      %mul3A_661 = arith.mulf %get3A_533, %sub3A_362 : vector<16xf32>
      %add3A_662 = arith.addf %get3A_315, %mul3A_661 : vector<16xf32>
      %add3A_663 = arith.addf %add3A_660, %add3A_662 : vector<16xf32>
      %swap3A_664 = arith.index_cast %add3A_529 : i32 to index
      %swap3A_665 = arith.constant 112 : index
      %swap3A_666 = tpu.vector_load %arg11[%swap3A_664, %swap3A_665] {strides = array<i32>} : memref<256x128xf32, #tpu.memory_space<vmem>>, vector<1x16xf32>,
      %swap3A_667 = vector.shape_cast %swap3A_666 : vector<1x16xf32> to vector<16xf32>
      %swap3A_668 = vector.shape_cast %add3A_663 : vector<16xf32> to vector<1x16xf32>
      tpu.vector_store %arg11[%swap3A_664, %swap3A_665], %swap3A_668 {strides = array<i32>} : memref<256x128xf32, #tpu.memory_space<vmem>>, vector<1x16xf32>,
    }
    %scan3A_444 = arith.constant 64 : i32
    %add3A_445 = arith.constant 4096 : i32
    %add3A_446 = arith.addi %add3A_445, %mul3A_2 : i32
    %dma_start3A_447 = arith.constant 128 : i32
    %dma_start3A_448 = arith.constant 0 : i32
    %dma_start3A_449 = tpu.memref_slice %arg11[%dma_start3A_447, %dma_start3A_448] : memref<256x128xf32, #tpu.memory_space<vmem>> -> memref<64x128xf32, #tpu.memory_space<vmem>>
    %dma_start3A_450 = arith.constant 0 : i32
    %dma_start3A_451 = tpu.memref_slice %arg7[%add3A_446, %dma_start3A_450] : memref<8192x128xf32, #tpu.memory_space<hbm>> -> memref<64x128xf32, #tpu.memory_space<hbm>>
    %dma_start3A_452 = arith.constant 0 : i32
    %dma_start3A_453 = tpu.memref_slice %arg7[%add3A_446, %dma_start3A_452] : memref<8192x128xf32, #tpu.memory_space<hbm>> -> memref<64x128xf32, #tpu.memory_space<hbm>>
    %dma_start3A_454 = arith.constant 128 : i32
    %dma_start3A_455 = arith.constant 0 : i32
    %dma_start3A_456 = tpu.memref_slice %arg11[%dma_start3A_454, %dma_start3A_455] : memref<256x128xf32, #tpu.memory_space<vmem>> -> memref<64x128xf32, #tpu.memory_space<vmem>>
    tpu.enqueue_dma source(%dma_start3A_456 : memref<64x128xf32, #tpu.memory_space<vmem>>) target(%dma_start3A_453 : memref<64x128xf32, #tpu.memory_space<hbm>>) target_semaphore(%arg19 : memref<!tpu.dma_semaphore, #tpu.memory_space<semaphore_mem>>)
    %dma_wait3A_457 = arith.constant 3 : i32
    %dma_wait3A_458 = arith.constant 3 : i32
    %dma_wait3A_459 = arith.constant 192 : i32
    %dma_wait3A_460 = arith.constant 0 : i32
    %dma_wait3A_461 = tpu.memref_slice %arg11[%dma_wait3A_459, %dma_wait3A_460] : memref<256x128xf32, #tpu.memory_space<vmem>> -> memref<64x128xf32, #tpu.memory_space<vmem>>
    %dma_wait3A_462 = arith.constant 0 : i32
    %dma_wait3A_463 = tpu.memref_slice %arg8[%dma_wait3A_457, %dma_wait3A_462] : memref<4x64xi32, #tpu.memory_space<vmem>> -> memref<1x64xi32, #tpu.memory_space<vmem>>
    %dma_wait3A_464 = tpu.memref_squeeze %dma_wait3A_463 : memref<1x64xi32, #tpu.memory_space<vmem>> -> memref<64xi32, #tpu.memory_space<vmem>>
    %dma_wait3A_465 = arith.constant 0 : i32
    %dma_wait3A_466 = arith.constant 0 : i32
    %dma_wait3A_467 = tpu.memref_slice %arg4[%dma_wait3A_465, %dma_wait3A_466] : memref<100000x128xf32, #tpu.memory_space<hbm>> -> memref<100000x128xf32, #tpu.memory_space<hbm>>
    %dma_wait3A_468 = tpu.memref_slice %arg14[%dma_wait3A_458] : memref<4x!tpu.dma_semaphore, #tpu.memory_space<semaphore_mem>> -> memref<1x!tpu.dma_semaphore, #tpu.memory_space<semaphore_mem>>
    %dma_wait3A_469 = tpu.memref_squeeze %dma_wait3A_468 : memref<1x!tpu.dma_semaphore, #tpu.memory_space<semaphore_mem>> -> memref<!tpu.dma_semaphore, #tpu.memory_space<semaphore_mem>>
    tpu.wait_indirect_dma semaphore(%dma_wait3A_469 : memref<!tpu.dma_semaphore, #tpu.memory_space<semaphore_mem>>) src(%dma_wait3A_467 : memref<100000x128xf32, #tpu.memory_space<hbm>>) dst(%dma_wait3A_461 : memref<64x128xf32, #tpu.memory_space<vmem>>)
    %scan3A_470 = arith.constant 0 : i32
    %scan3A_471 = arith.constant 64 : i32
    %scan3A_472 = arith.addi %scan3A_470, %scan3A_471 : i32
    %scan3A_473 = arith.constant 1 : i32
    scf.for %scan3A_527 = %scan3A_470 to %scan3A_472 step %scan3A_473  : i32 {
      %add3A_528 = arith.constant 192 : i32
      %add3A_529 = arith.addi %add3A_528, %scan3A_527 : i32
      %get3A_530 = arith.index_cast %add3A_529 : i32 to index
      %get3A_531 = arith.constant 0 : index
      %get3A_532 = tpu.vector_load %arg10[%get3A_530, %get3A_531] {strides = array<i32>} : memref<256x16xf32, #tpu.memory_space<vmem>>, vector<1x16xf32>,
      %get3A_533 = vector.shape_cast %get3A_532 : vector<1x16xf32> to vector<16xf32>
      %get3A_534 = arith.index_cast %add3A_529 : i32 to index
      %get3A_535 = arith.constant 0 : index
      %get3A_536 = tpu.vector_load %arg11[%get3A_534, %get3A_535] {strides = array<i32>} : memref<256x128xf32, #tpu.memory_space<vmem>>, vector<1x16xf32>,
      %get3A_537 = vector.shape_cast %get3A_536 : vector<1x16xf32> to vector<16xf32>
      %get3A_538 = arith.index_cast %scan3A_527 : i32 to index
      %get3A_539 = arith.constant 0 : index
      %get3A_540 = tpu.vector_load %arg12[%get3A_538, %get3A_539] {strides = array<i32>} : memref<64x128xf32, #tpu.memory_space<vmem>>, vector<1x16xf32>,
      %get3A_541 = vector.shape_cast %get3A_540 : vector<1x16xf32> to vector<16xf32>
      %add3A_542 = arith.addf %get3A_537, %get3A_541 : vector<16xf32>
      %mul3A_543 = arith.mulf %get3A_533, %sub3A : vector<16xf32>
      %add3A_544 = arith.addf %get3A_280, %mul3A_543 : vector<16xf32>
      %add3A_545 = arith.addf %add3A_542, %add3A_544 : vector<16xf32>
      %swap3A = arith.index_cast %add3A_529 : i32 to index
      %swap3A_546 = arith.constant 0 : index
      %swap3A_547 = tpu.vector_load %arg11[%swap3A, %swap3A_546] {strides = array<i32>} : memref<256x128xf32, #tpu.memory_space<vmem>>, vector<1x16xf32>,
      %swap3A_548 = vector.shape_cast %swap3A_547 : vector<1x16xf32> to vector<16xf32>
      %swap3A_549 = vector.shape_cast %add3A_545 : vector<16xf32> to vector<1x16xf32>
      tpu.vector_store %arg11[%swap3A, %swap3A_546], %swap3A_549 {strides = array<i32>} : memref<256x128xf32, #tpu.memory_space<vmem>>, vector<1x16xf32>,
      %get3A_550 = arith.index_cast %add3A_529 : i32 to index
      %get3A_551 = arith.constant 16 : index
      %get3A_552 = tpu.vector_load %arg11[%get3A_550, %get3A_551] {strides = array<i32>} : memref<256x128xf32, #tpu.memory_space<vmem>>, vector<1x16xf32>,
      %get3A_553 = vector.shape_cast %get3A_552 : vector<1x16xf32> to vector<16xf32>
      %get3A_554 = arith.index_cast %scan3A_527 : i32 to index
      %get3A_555 = arith.constant 16 : index
      %get3A_556 = tpu.vector_load %arg12[%get3A_554, %get3A_555] {strides = array<i32>} : memref<64x128xf32, #tpu.memory_space<vmem>>, vector<1x16xf32>,
      %get3A_557 = vector.shape_cast %get3A_556 : vector<1x16xf32> to vector<16xf32>
      %add3A_558 = arith.addf %get3A_553, %get3A_557 : vector<16xf32>
      %mul3A_559 = arith.mulf %get3A_533, %sub3A_326 : vector<16xf32>
      %add3A_560 = arith.addf %get3A_285, %mul3A_559 : vector<16xf32>
      %add3A_561 = arith.addf %add3A_558, %add3A_560 : vector<16xf32>
      %swap3A_562 = arith.index_cast %add3A_529 : i32 to index
      %swap3A_563 = arith.constant 16 : index
      %swap3A_564 = tpu.vector_load %arg11[%swap3A_562, %swap3A_563] {strides = array<i32>} : memref<256x128xf32, #tpu.memory_space<vmem>>, vector<1x16xf32>,
      %swap3A_565 = vector.shape_cast %swap3A_564 : vector<1x16xf32> to vector<16xf32>
      %swap3A_566 = vector.shape_cast %add3A_561 : vector<16xf32> to vector<1x16xf32>
      tpu.vector_store %arg11[%swap3A_562, %swap3A_563], %swap3A_566 {strides = array<i32>} : memref<256x128xf32, #tpu.memory_space<vmem>>, vector<1x16xf32>,
      %get3A_567 = arith.index_cast %add3A_529 : i32 to index
      %get3A_568 = arith.constant 32 : index
      %get3A_569 = tpu.vector_load %arg11[%get3A_567, %get3A_568] {strides = array<i32>} : memref<256x128xf32, #tpu.memory_space<vmem>>, vector<1x16xf32>,
      %get3A_570 = vector.shape_cast %get3A_569 : vector<1x16xf32> to vector<16xf32>
      %get3A_571 = arith.index_cast %scan3A_527 : i32 to index
      %get3A_572 = arith.constant 32 : index
      %get3A_573 = tpu.vector_load %arg12[%get3A_571, %get3A_572] {strides = array<i32>} : memref<64x128xf32, #tpu.memory_space<vmem>>, vector<1x16xf32>,
      %get3A_574 = vector.shape_cast %get3A_573 : vector<1x16xf32> to vector<16xf32>
      %add3A_575 = arith.addf %get3A_570, %get3A_574 : vector<16xf32>
      %mul3A_576 = arith.mulf %get3A_533, %sub3A_332 : vector<16xf32>
      %add3A_577 = arith.addf %get3A_290, %mul3A_576 : vector<16xf32>
      %add3A_578 = arith.addf %add3A_575, %add3A_577 : vector<16xf32>
      %swap3A_579 = arith.index_cast %add3A_529 : i32 to index
      %swap3A_580 = arith.constant 32 : index
      %swap3A_581 = tpu.vector_load %arg11[%swap3A_579, %swap3A_580] {strides = array<i32>} : memref<256x128xf32, #tpu.memory_space<vmem>>, vector<1x16xf32>,
      %swap3A_582 = vector.shape_cast %swap3A_581 : vector<1x16xf32> to vector<16xf32>
      %swap3A_583 = vector.shape_cast %add3A_578 : vector<16xf32> to vector<1x16xf32>
      tpu.vector_store %arg11[%swap3A_579, %swap3A_580], %swap3A_583 {strides = array<i32>} : memref<256x128xf32, #tpu.memory_space<vmem>>, vector<1x16xf32>,
      %get3A_584 = arith.index_cast %add3A_529 : i32 to index
      %get3A_585 = arith.constant 48 : index
      %get3A_586 = tpu.vector_load %arg11[%get3A_584, %get3A_585] {strides = array<i32>} : memref<256x128xf32, #tpu.memory_space<vmem>>, vector<1x16xf32>,
      %get3A_587 = vector.shape_cast %get3A_586 : vector<1x16xf32> to vector<16xf32>
      %get3A_588 = arith.index_cast %scan3A_527 : i32 to index
      %get3A_589 = arith.constant 48 : index
      %get3A_590 = tpu.vector_load %arg12[%get3A_588, %get3A_589] {strides = array<i32>} : memref<64x128xf32, #tpu.memory_space<vmem>>, vector<1x16xf32>,
      %get3A_591 = vector.shape_cast %get3A_590 : vector<1x16xf32> to vector<16xf32>
      %add3A_592 = arith.addf %get3A_587, %get3A_591 : vector<16xf32>
      %mul3A_593 = arith.mulf %get3A_533, %sub3A_338 : vector<16xf32>
      %add3A_594 = arith.addf %get3A_295, %mul3A_593 : vector<16xf32>
      %add3A_595 = arith.addf %add3A_592, %add3A_594 : vector<16xf32>
      %swap3A_596 = arith.index_cast %add3A_529 : i32 to index
      %swap3A_597 = arith.constant 48 : index
      %swap3A_598 = tpu.vector_load %arg11[%swap3A_596, %swap3A_597] {strides = array<i32>} : memref<256x128xf32, #tpu.memory_space<vmem>>, vector<1x16xf32>,
      %swap3A_599 = vector.shape_cast %swap3A_598 : vector<1x16xf32> to vector<16xf32>
      %swap3A_600 = vector.shape_cast %add3A_595 : vector<16xf32> to vector<1x16xf32>
      tpu.vector_store %arg11[%swap3A_596, %swap3A_597], %swap3A_600 {strides = array<i32>} : memref<256x128xf32, #tpu.memory_space<vmem>>, vector<1x16xf32>,
      %get3A_601 = arith.index_cast %add3A_529 : i32 to index
      %get3A_602 = arith.constant 64 : index
      %get3A_603 = tpu.vector_load %arg11[%get3A_601, %get3A_602] {strides = array<i32>} : memref<256x128xf32, #tpu.memory_space<vmem>>, vector<1x16xf32>,
      %get3A_604 = vector.shape_cast %get3A_603 : vector<1x16xf32> to vector<16xf32>
      %get3A_605 = arith.index_cast %scan3A_527 : i32 to index
      %get3A_606 = arith.constant 64 : index
      %get3A_607 = tpu.vector_load %arg12[%get3A_605, %get3A_606] {strides = array<i32>} : memref<64x128xf32, #tpu.memory_space<vmem>>, vector<1x16xf32>,
      %get3A_608 = vector.shape_cast %get3A_607 : vector<1x16xf32> to vector<16xf32>
      %add3A_609 = arith.addf %get3A_604, %get3A_608 : vector<16xf32>
      %mul3A_610 = arith.mulf %get3A_533, %sub3A_344 : vector<16xf32>
      %add3A_611 = arith.addf %get3A_300, %mul3A_610 : vector<16xf32>
      %add3A_612 = arith.addf %add3A_609, %add3A_611 : vector<16xf32>
      %swap3A_613 = arith.index_cast %add3A_529 : i32 to index
      %swap3A_614 = arith.constant 64 : index
      %swap3A_615 = tpu.vector_load %arg11[%swap3A_613, %swap3A_614] {strides = array<i32>} : memref<256x128xf32, #tpu.memory_space<vmem>>, vector<1x16xf32>,
      %swap3A_616 = vector.shape_cast %swap3A_615 : vector<1x16xf32> to vector<16xf32>
      %swap3A_617 = vector.shape_cast %add3A_612 : vector<16xf32> to vector<1x16xf32>
      tpu.vector_store %arg11[%swap3A_613, %swap3A_614], %swap3A_617 {strides = array<i32>} : memref<256x128xf32, #tpu.memory_space<vmem>>, vector<1x16xf32>,
      %get3A_618 = arith.index_cast %add3A_529 : i32 to index
      %get3A_619 = arith.constant 80 : index
      %get3A_620 = tpu.vector_load %arg11[%get3A_618, %get3A_619] {strides = array<i32>} : memref<256x128xf32, #tpu.memory_space<vmem>>, vector<1x16xf32>,
      %get3A_621 = vector.shape_cast %get3A_620 : vector<1x16xf32> to vector<16xf32>
      %get3A_622 = arith.index_cast %scan3A_527 : i32 to index
      %get3A_623 = arith.constant 80 : index
      %get3A_624 = tpu.vector_load %arg12[%get3A_622, %get3A_623] {strides = array<i32>} : memref<64x128xf32, #tpu.memory_space<vmem>>, vector<1x16xf32>,
      %get3A_625 = vector.shape_cast %get3A_624 : vector<1x16xf32> to vector<16xf32>
      %add3A_626 = arith.addf %get3A_621, %get3A_625 : vector<16xf32>
      %mul3A_627 = arith.mulf %get3A_533, %sub3A_350 : vector<16xf32>
      %add3A_628 = arith.addf %get3A_305, %mul3A_627 : vector<16xf32>
      %add3A_629 = arith.addf %add3A_626, %add3A_628 : vector<16xf32>
      %swap3A_630 = arith.index_cast %add3A_529 : i32 to index
      %swap3A_631 = arith.constant 80 : index
      %swap3A_632 = tpu.vector_load %arg11[%swap3A_630, %swap3A_631] {strides = array<i32>} : memref<256x128xf32, #tpu.memory_space<vmem>>, vector<1x16xf32>,
      %swap3A_633 = vector.shape_cast %swap3A_632 : vector<1x16xf32> to vector<16xf32>
      %swap3A_634 = vector.shape_cast %add3A_629 : vector<16xf32> to vector<1x16xf32>
      tpu.vector_store %arg11[%swap3A_630, %swap3A_631], %swap3A_634 {strides = array<i32>} : memref<256x128xf32, #tpu.memory_space<vmem>>, vector<1x16xf32>,
      %get3A_635 = arith.index_cast %add3A_529 : i32 to index
      %get3A_636 = arith.constant 96 : index
      %get3A_637 = tpu.vector_load %arg11[%get3A_635, %get3A_636] {strides = array<i32>} : memref<256x128xf32, #tpu.memory_space<vmem>>, vector<1x16xf32>,
      %get3A_638 = vector.shape_cast %get3A_637 : vector<1x16xf32> to vector<16xf32>
      %get3A_639 = arith.index_cast %scan3A_527 : i32 to index
      %get3A_640 = arith.constant 96 : index
      %get3A_641 = tpu.vector_load %arg12[%get3A_639, %get3A_640] {strides = array<i32>} : memref<64x128xf32, #tpu.memory_space<vmem>>, vector<1x16xf32>,
      %get3A_642 = vector.shape_cast %get3A_641 : vector<1x16xf32> to vector<16xf32>
      %add3A_643 = arith.addf %get3A_638, %get3A_642 : vector<16xf32>
      %mul3A_644 = arith.mulf %get3A_533, %sub3A_356 : vector<16xf32>
      %add3A_645 = arith.addf %get3A_310, %mul3A_644 : vector<16xf32>
      %add3A_646 = arith.addf %add3A_643, %add3A_645 : vector<16xf32>
      %swap3A_647 = arith.index_cast %add3A_529 : i32 to index
      %swap3A_648 = arith.constant 96 : index
      %swap3A_649 = tpu.vector_load %arg11[%swap3A_647, %swap3A_648] {strides = array<i32>} : memref<256x128xf32, #tpu.memory_space<vmem>>, vector<1x16xf32>,
      %swap3A_650 = vector.shape_cast %swap3A_649 : vector<1x16xf32> to vector<16xf32>
      %swap3A_651 = vector.shape_cast %add3A_646 : vector<16xf32> to vector<1x16xf32>
      tpu.vector_store %arg11[%swap3A_647, %swap3A_648], %swap3A_651 {strides = array<i32>} : memref<256x128xf32, #tpu.memory_space<vmem>>, vector<1x16xf32>,
      %get3A_652 = arith.index_cast %add3A_529 : i32 to index
      %get3A_653 = arith.constant 112 : index
      %get3A_654 = tpu.vector_load %arg11[%get3A_652, %get3A_653] {strides = array<i32>} : memref<256x128xf32, #tpu.memory_space<vmem>>, vector<1x16xf32>,
      %get3A_655 = vector.shape_cast %get3A_654 : vector<1x16xf32> to vector<16xf32>
      %get3A_656 = arith.index_cast %scan3A_527 : i32 to index
      %get3A_657 = arith.constant 112 : index
      %get3A_658 = tpu.vector_load %arg12[%get3A_656, %get3A_657] {strides = array<i32>} : memref<64x128xf32, #tpu.memory_space<vmem>>, vector<1x16xf32>,
      %get3A_659 = vector.shape_cast %get3A_658 : vector<1x16xf32> to vector<16xf32>
      %add3A_660 = arith.addf %get3A_655, %get3A_659 : vector<16xf32>
      %mul3A_661 = arith.mulf %get3A_533, %sub3A_362 : vector<16xf32>
      %add3A_662 = arith.addf %get3A_315, %mul3A_661 : vector<16xf32>
      %add3A_663 = arith.addf %add3A_660, %add3A_662 : vector<16xf32>
      %swap3A_664 = arith.index_cast %add3A_529 : i32 to index
      %swap3A_665 = arith.constant 112 : index
      %swap3A_666 = tpu.vector_load %arg11[%swap3A_664, %swap3A_665] {strides = array<i32>} : memref<256x128xf32, #tpu.memory_space<vmem>>, vector<1x16xf32>,
      %swap3A_667 = vector.shape_cast %swap3A_666 : vector<1x16xf32> to vector<16xf32>
      %swap3A_668 = vector.shape_cast %add3A_663 : vector<16xf32> to vector<1x16xf32>
      tpu.vector_store %arg11[%swap3A_664, %swap3A_665], %swap3A_668 {strides = array<i32>} : memref<256x128xf32, #tpu.memory_space<vmem>>, vector<1x16xf32>,
    }
    %scan3A_474 = arith.constant 64 : i32
    %add3A_475 = arith.constant 6144 : i32
    %add3A_476 = arith.addi %add3A_475, %mul3A_2 : i32
    %dma_start3A_477 = arith.constant 192 : i32
    %dma_start3A_478 = arith.constant 0 : i32
    %dma_start3A_479 = tpu.memref_slice %arg11[%dma_start3A_477, %dma_start3A_478] : memref<256x128xf32, #tpu.memory_space<vmem>> -> memref<64x128xf32, #tpu.memory_space<vmem>>
    %dma_start3A_480 = arith.constant 0 : i32
    %dma_start3A_481 = tpu.memref_slice %arg7[%add3A_476, %dma_start3A_480] : memref<8192x128xf32, #tpu.memory_space<hbm>> -> memref<64x128xf32, #tpu.memory_space<hbm>>
    %dma_start3A_482 = arith.constant 0 : i32
    %dma_start3A_483 = tpu.memref_slice %arg7[%add3A_476, %dma_start3A_482] : memref<8192x128xf32, #tpu.memory_space<hbm>> -> memref<64x128xf32, #tpu.memory_space<hbm>>
    %dma_start3A_484 = arith.constant 192 : i32
    %dma_start3A_485 = arith.constant 0 : i32
    %dma_start3A_486 = tpu.memref_slice %arg11[%dma_start3A_484, %dma_start3A_485] : memref<256x128xf32, #tpu.memory_space<vmem>> -> memref<64x128xf32, #tpu.memory_space<vmem>>
    tpu.enqueue_dma source(%dma_start3A_486 : memref<64x128xf32, #tpu.memory_space<vmem>>) target(%dma_start3A_483 : memref<64x128xf32, #tpu.memory_space<hbm>>) target_semaphore(%arg19 : memref<!tpu.dma_semaphore, #tpu.memory_space<semaphore_mem>>)
    %dma_wait3A_487 = arith.constant 0 : i32
    %dma_wait3A_488 = arith.constant 0 : i32
    %dma_wait3A_489 = tpu.memref_slice %arg11[%dma_wait3A_487, %dma_wait3A_488] : memref<256x128xf32, #tpu.memory_space<vmem>> -> memref<64x128xf32, #tpu.memory_space<vmem>>
    %dma_wait3A_490 = arith.constant 0 : i32
    %dma_wait3A_491 = tpu.memref_slice %arg7[%add3A_386, %dma_wait3A_490] : memref<8192x128xf32, #tpu.memory_space<hbm>> -> memref<64x128xf32, #tpu.memory_space<hbm>>
    %dma_wait3A_492 = arith.constant 0 : i32
    %dma_wait3A_493 = tpu.memref_slice %arg7[%add3A_386, %dma_wait3A_492] : memref<8192x128xf32, #tpu.memory_space<hbm>> -> memref<64x128xf32, #tpu.memory_space<hbm>>
    %dma_wait3A_494 = arith.constant 0 : i32
    %dma_wait3A_495 = arith.constant 0 : i32
    %dma_wait3A_496 = tpu.memref_slice %arg11[%dma_wait3A_494, %dma_wait3A_495] : memref<256x128xf32, #tpu.memory_space<vmem>> -> memref<64x128xf32, #tpu.memory_space<vmem>>
    tpu.wait_dma2 semaphore(%arg19 : memref<!tpu.dma_semaphore, #tpu.memory_space<semaphore_mem>>) src(%dma_wait3A_496 : memref<64x128xf32, #tpu.memory_space<vmem>>) dst(%dma_wait3A_493 : memref<64x128xf32, #tpu.memory_space<hbm>>)
    %dma_wait3A_497 = arith.constant 64 : i32
    %dma_wait3A_498 = arith.constant 0 : i32
    %dma_wait3A_499 = tpu.memref_slice %arg11[%dma_wait3A_497, %dma_wait3A_498] : memref<256x128xf32, #tpu.memory_space<vmem>> -> memref<64x128xf32, #tpu.memory_space<vmem>>
    %dma_wait3A_500 = arith.constant 0 : i32
    %dma_wait3A_501 = tpu.memref_slice %arg7[%add3A_416, %dma_wait3A_500] : memref<8192x128xf32, #tpu.memory_space<hbm>> -> memref<64x128xf32, #tpu.memory_space<hbm>>
    %dma_wait3A_502 = arith.constant 0 : i32
    %dma_wait3A_503 = tpu.memref_slice %arg7[%add3A_416, %dma_wait3A_502] : memref<8192x128xf32, #tpu.memory_space<hbm>> -> memref<64x128xf32, #tpu.memory_space<hbm>>
    %dma_wait3A_504 = arith.constant 64 : i32
    %dma_wait3A_505 = arith.constant 0 : i32
    %dma_wait3A_506 = tpu.memref_slice %arg11[%dma_wait3A_504, %dma_wait3A_505] : memref<256x128xf32, #tpu.memory_space<vmem>> -> memref<64x128xf32, #tpu.memory_space<vmem>>
    tpu.wait_dma2 semaphore(%arg19 : memref<!tpu.dma_semaphore, #tpu.memory_space<semaphore_mem>>) src(%dma_wait3A_506 : memref<64x128xf32, #tpu.memory_space<vmem>>) dst(%dma_wait3A_503 : memref<64x128xf32, #tpu.memory_space<hbm>>)
    %dma_wait3A_507 = arith.constant 128 : i32
    %dma_wait3A_508 = arith.constant 0 : i32
    %dma_wait3A_509 = tpu.memref_slice %arg11[%dma_wait3A_507, %dma_wait3A_508] : memref<256x128xf32, #tpu.memory_space<vmem>> -> memref<64x128xf32, #tpu.memory_space<vmem>>
    %dma_wait3A_510 = arith.constant 0 : i32
    %dma_wait3A_511 = tpu.memref_slice %arg7[%add3A_446, %dma_wait3A_510] : memref<8192x128xf32, #tpu.memory_space<hbm>> -> memref<64x128xf32, #tpu.memory_space<hbm>>
    %dma_wait3A_512 = arith.constant 0 : i32
    %dma_wait3A_513 = tpu.memref_slice %arg7[%add3A_446, %dma_wait3A_512] : memref<8192x128xf32, #tpu.memory_space<hbm>> -> memref<64x128xf32, #tpu.memory_space<hbm>>
    %dma_wait3A_514 = arith.constant 128 : i32
    %dma_wait3A_515 = arith.constant 0 : i32
    %dma_wait3A_516 = tpu.memref_slice %arg11[%dma_wait3A_514, %dma_wait3A_515] : memref<256x128xf32, #tpu.memory_space<vmem>> -> memref<64x128xf32, #tpu.memory_space<vmem>>
    tpu.wait_dma2 semaphore(%arg19 : memref<!tpu.dma_semaphore, #tpu.memory_space<semaphore_mem>>) src(%dma_wait3A_516 : memref<64x128xf32, #tpu.memory_space<vmem>>) dst(%dma_wait3A_513 : memref<64x128xf32, #tpu.memory_space<hbm>>)
    %dma_wait3A_517 = arith.constant 192 : i32
    %dma_wait3A_518 = arith.constant 0 : i32
    %dma_wait3A_519 = tpu.memref_slice %arg11[%dma_wait3A_517, %dma_wait3A_518] : memref<256x128xf32, #tpu.memory_space<vmem>> -> memref<64x128xf32, #tpu.memory_space<vmem>>
    %dma_wait3A_520 = arith.constant 0 : i32
    %dma_wait3A_521 = tpu.memref_slice %arg7[%add3A_476, %dma_wait3A_520] : memref<8192x128xf32, #tpu.memory_space<hbm>> -> memref<64x128xf32, #tpu.memory_space<hbm>>
    %dma_wait3A_522 = arith.constant 0 : i32
    %dma_wait3A_523 = tpu.memref_slice %arg7[%add3A_476, %dma_wait3A_522] : memref<8192x128xf32, #tpu.memory_space<hbm>> -> memref<64x128xf32, #tpu.memory_space<hbm>>
    %dma_wait3A_524 = arith.constant 192 : i32
    %dma_wait3A_525 = arith.constant 0 : i32
    %dma_wait3A_526 = tpu.memref_slice %arg11[%dma_wait3A_524, %dma_wait3A_525] : memref<256x128xf32, #tpu.memory_space<vmem>> -> memref<64x128xf32, #tpu.memory_space<vmem>>
    tpu.wait_dma2 semaphore(%arg19 : memref<!tpu.dma_semaphore, #tpu.memory_space<semaphore_mem>>) src(%dma_wait3A_526 : memref<64x128xf32, #tpu.memory_space<vmem>>) dst(%dma_wait3A_523 : memref<64x128xf32, #tpu.memory_space<hbm>>)
    return
  }
}

</mosaic_0001>

<sc_bundles>
// kernel: _embedding_sum.3.cloned.1.call-start
scs
__scs_entry_jumppad:
0x0: {  	(pc) =	sbr.rel $0x88, $3  }
0x1: {  	(tag) =	ssettag $0x0;
	lr =	simm.s32 $0x1  }
0x2: {  	[smem:$0x3F9C] =	sst lr;
	_ =	strace $0xD0000000  }
0x3: {  	_ = 	snop  }
0x4: {  	_ = 	snop  }
0x5: {  	_ = 	snop  }
0x6: {  	_ = 	snop  }
0x7: {  	_ = 	snop  }
__scs_overlays_trampoline_lowered:
0x8: {  	[smem:$0x3FAB] =	sst s0  }
0x9: {  	[smem:$0x3FAC] =	sst s1  }
0xa: {  	[smem:$0x3FAD] =	sst s2  }
0xb: {  	[smem:$0x3FAE] =	sst s3  }
0xc: {  	[smem:$0x3FAF] =	sst s4  }
0xd: {  	[smem:$0x3FB0] =	sst s5  }
0xe: {  	[smem:$0x3FB1] =	sst s6  }
0xf: {  	[smem:$0x3FB2] =	sst s7  }
0x10: {  	[smem:$0x3FB3] =	sst s8  }
0x11: {  	[smem:$0x3FB4] =	sst s9;
	s0 =	simm.s32 @!p0 $0x0  }
0x12: {  	s1 =	sld [smem:$0x3F9A];
	s0 =	simm.s32 @p0 $0x1  }
0x13: {  	[smem:$0x3FB5] =	sst s0;
	s0 =	simm.s32 @!p1 $0x0  }
0x14: {  	s2 =	sld [smem:$0x3F99];
	s0 =	simm.s32 @p1 $0x1  }
0x15: {  	[smem:$0x3FB6] =	sst s0;
	s0 =	simm.s32 @!p2 $0x0  }
0x16: {  	s3 =	sld [smem:$0x3FDB];
	s0 =	simm.s32 @p2 $0x1  }
0x17: {  	s4 =	simm.s32 $0x1BF5;
	[smem:$0x3FB8] =	sst s0  }
0x18: {  	s0 =	sld [smem:$0x3F9B];
	_ =	swait.ge [sflag:s4], $0x0  }
0x19: {  	s7 =	sld [smem:$0x3F9C]  }
0x1a: {  	s8 =	sadd.s32 $0xFFFFE003, lr  }
0x1b: {  	s9 =	sadd.s32 $0xFFFFFEF7, lr;
	s5 =	simm.s32 $0xFFFFFFFF;
	p2 =	slt.u32 s8, $0xFFFFF086  }
0x1c: {  	p1 =	slt.u32 s9, $0xF7A;
	s5 =	simm.s32 @!p2 $0x0  }
0x1d: {  	s5 =	simm.s32 @p1 $0x1;
	p0 =	seq.s32 s7, s2  }
0x1e: {  	s7 =	smul.u32 @!p0 $0xF7A, s2;
	p2 =	seq.s32 @!p0 s5, $0x0  }
0x1f: {  	s9 =	smul.u32 $0xF7A, s1;
	s8 =	simm.s32 @!p0 $0x1BF5;
	p2 =	por !p2, p0  }
0x20: {  	[sflag:s8] =	ssyncset.s32 @!p0 $0xFFFFF086;
	s6 =	sadd.s32 @!p0 s3, s7;
	s7 =	simm.s32 @!p0 $0x108  }
0x21: {  	s3 =	sadd.s32 s3, s9;
	s6 =	sadd.s32 @!p0 $0x88, s6;
	s7 =	simm.s32 @p2 $0x1082  }
0x22: {  	[simem:s7], [sflag:s8] =	dma.local @!p0 [hbm:s6], $0xF7A  }
0x23: {  	s9 =	sor.u32 $0xD0000000, s2;
	s6 =	simm.s32 $0x108;
	_ =	swait.ge @!p0 [sflag:s8], $0x0  }
0x24: {  	s3 =	sadd.s32 $0x88, s3;
	s6 =	simm.s32 @!p1 $0x1082;
	[sflag:s4] =	ssyncset.s32 $0xFFFFF086  }
0x25: {  	[simem:s6], [sflag:s4] =	dma.local [hbm:s3], $0xF7A  }
0x26: {  	[smem:$0x3F9C] =	sst s1;
	(tag) =	ssettag s2;
	_ =	strace s9  }
0x27: {  	s1 =	sld [smem:$0x3FAC]  }
0x28: {  	s2 =	sld [smem:$0x3FAD]  }
0x29: {  	s4 =	sld [smem:$0x3FAF]  }
0x2a: {  	p0 =	seq.s32 s5, $0x0;
	s5 =	sld [smem:$0x3FB0]  }
0x2b: {  	s6 =	sld [smem:$0x3FB1]  }
0x2c: {  	s7 =	sld [smem:$0x3FB2]  }
0x2d: {  	s3 =	simm.s32 $0x108;
	s8 =	sld [smem:$0x3FB3]  }
0x2e: {  	s3 =	simm.s32 @!p0 $0x1082;
	s9 =	sld [smem:$0x3FB4]  }
0x2f: {  	lr =	sadd.s32 s0, s3;
	s0 =	sld [smem:$0x3FAB]  }
0x30: {  	s3 =	sld [smem:$0x3FAE]  }
0x31: {  	[smem:$0x3FB7] =	sst s10  }
0x32: {  	s10 =	sld [smem:$0x3FB5];
	_ =	sdelay $0x3  }
0x33: {  	p0 =	seq.s32 s10, $0x1;
	s10 =	sld [smem:$0x3FB7];
	_ =	sdelay $0x3  }
0x34: {  	[smem:$0x3FB7] =	sst s10  }
0x35: {  	s10 =	sld [smem:$0x3FB6];
	_ =	sdelay $0x3  }
0x36: {  	p1 =	seq.s32 s10, $0x1;
	s10 =	sld [smem:$0x3FB7];
	_ =	sdelay $0x3  }
0x37: {  	[smem:$0x3FB7] =	sst s10  }
0x38: {  	s10 =	sld [smem:$0x3FB8]  }
0x39: {  	_ = 	snop;
	(pc) =	sbr.ind lr, $3  }
0x3a: {  	_ = 	snop  }
0x3b: {  	_ = 	snop  }
0x3c: {  	p2 =	seq.s32 s10, $0x1;
	s10 =	sld [smem:$0x3FB7]  }
0x3d: {  	_ =	shalt  }
0x3e: {  	_ =	shalt  }
0x3f: {  	_ =	shalt  }
0x40: {  	_ =	shalt  }
0x41: {  	_ =	shalt  }
0x42: {  	_ =	shalt  }
0x43: {  	_ =	shalt  }
0x44: {  	_ =	shalt  }
0x45: {  	_ =	shalt  }
0x46: {  	_ =	shalt  }
0x47: {  	_ =	shalt  }
0x48: {  	_ =	shalt  }
0x49: {  	_ =	shalt  }
0x4a: {  	_ =	shalt  }
0x4b: {  	_ =	shalt  }
0x4c: {  	_ =	shalt  }
0x4d: {  	_ =	shalt  }
0x4e: {  	_ =	shalt  }
0x4f: {  	_ =	shalt  }
0x50: {  	_ =	shalt  }
0x51: {  	_ =	shalt  }
0x52: {  	_ =	shalt  }
0x53: {  	_ =	shalt  }
0x54: {  	_ =	shalt  }
0x55: {  	_ =	shalt  }
0x56: {  	_ =	shalt  }
0x57: {  	_ =	shalt  }
0x58: {  	_ =	shalt  }
0x59: {  	_ =	shalt  }
0x5a: {  	_ =	shalt  }
0x5b: {  	_ =	shalt  }
0x5c: {  	_ =	shalt  }
0x5d: {  	_ =	shalt  }
0x5e: {  	_ =	shalt  }
0x5f: {  	_ =	shalt  }
0x60: {  	_ =	shalt  }
0x61: {  	_ =	shalt  }
0x62: {  	_ =	shalt  }
0x63: {  	_ =	shalt  }
0x64: {  	_ =	shalt  }
0x65: {  	_ =	shalt  }
0x66: {  	_ =	shalt  }
0x67: {  	_ =	shalt  }
0x68: {  	_ =	shalt  }
0x69: {  	_ =	shalt  }
0x6a: {  	_ =	shalt  }
0x6b: {  	_ =	shalt  }
0x6c: {  	_ =	shalt  }
0x6d: {  	_ =	shalt  }
0x6e: {  	_ =	shalt  }
0x6f: {  	_ =	shalt  }
0x70: {  	_ =	shalt  }
0x71: {  	_ =	shalt  }
0x72: {  	_ =	shalt  }
0x73: {  	_ =	shalt  }
0x74: {  	_ =	shalt  }
0x75: {  	_ =	shalt  }
0x76: {  	_ =	shalt  }
0x77: {  	_ =	shalt  }
0x78: {  	_ =	shalt  }
0x79: {  	_ =	shalt  }
0x7a: {  	_ =	shalt  }
0x7b: {  	_ =	shalt  }
0x7c: {  	_ =	shalt  }
0x7d: {  	_ =	shalt  }
0x7e: {  	_ =	shalt  }
0x7f: {  	_ =	shalt  }
0x80: {  	_ =	shalt  }
0x81: {  	_ =	shalt  }
0x82: {  	_ =	shalt  }
0x83: {  	_ =	shalt  }
0x84: {  	_ =	shalt  }
0x85: {  	_ =	shalt  }
0x86: {  	_ =	shalt  }
0x87: {  	_ =	shalt  }
.Lfunc_end0:
.L_simem_size_0:
called_computation_lowered:
.L_overlay_start_0:
0x88: {  	s2 =	sld [smem:$0x3FD9]  }
0x89: {  	s3 =	sld [smem:$0x3FFE];
	_ =	sdelay $0x1  }
0x8a: {  	s1 =	srdreg.scid  }
0x8b: {  	s0 =	sand.u32 $0x1, s1  }
0x8c: {  	s18 =	sshll.u32 s0, $0xA;
	s2 =	sadd.s32 s3, s2  }
0x8d: {  	s2 =	sadd.s32 s2, s18  }
0x8e: {  	[smem:$0x3FC3] =	sst s2  }
0x8f: {  	_ = 	snop  }
0x90: {  	s2 =	sld [smem:$0x3FC9]  }
0x91: {  	s19 =	sld [smem:$0x3FC8]  }
0x92: {  	s4 =	sld [smem:$0x3FC7]  }
0x93: {  	s5 =	sld [smem:$0x3FC6]  }
0x94: {  	s6 =	sld [smem:$0x3FC5]  }
0x95: {  	s7 =	sld [smem:$0x3FD0];
	(tm) =	ssettm $0x1  }
0x96: {  	s8 =	sld [smem:$0x3FFB];
	_ =	sdelay $0x3  }
0x97: {  	_ =	strace s8  }
0x98: {  	s8 =	sld [smem:$0x3FFC];
	_ =	sdelay $0x3  }
0x99: {  	_ =	strace s8  }
0x9a: {  	s8 =	sld [smem:$0x3FFD];
	_ =	sdelay $0x3  }
0x9b: {  	_ =	strace s8  }
0x9c: {  	_ =	strace $0x8FFFFFFF  }
0x9d: {  	s20 =	sld [smem:$0x3FDB];
	_ =	sdelay $0x1  }
0x9e: {  	s9 =	simm.s32 $_scs_section_size  }
0x9f: {  	s10 =	simm.s32 $_size__tile_overlayer_lowered;
	s11 =	simm.s32 $_tile_overlayer_lowered  }
0xa0: {  	s23 =	simm.s32 $0x1BFF;
	s22 =	sshll.u32 s11, $0x1;
	s8 =	sadd.s32 s9, s20  }
0xa1: {  	s12 =	simm.s32 $0x0;
	s21 =	sshll.u32 s10, $0x1;
	s10 =	sadd.s32 s22, s8  }
0xa2: {  	[timem:s12], [sflag:s23] =	dma.local [hbm:s10], s21  }
0xa3: {  	_ =	swait.ge [sflag:s23], s21  }
0xa4: {  	s9 =	ssub.s32 $0x0, s21;
	[sflag:s23] =	ssyncset.done $0x0  }
0xa5: {  	[sflag:s23] =	ssyncadd.s32 s9;
	_ =	sdelay $0x1  }
0xa6: {  	s24 =	simm.s32 $0x1B8B  }
0xa7: {  	_ =	swait.ge [sflag:s24], $0x1  }
0xa8: {  	[sflag:s24] =	ssyncset.done $0x0  }
0xa9: {  	s25 =	simm.s32 $0x1B8E;
	[sflag:s24] =	ssyncadd.s32 $0xFFFFFFFF  }
0xaa: {  	s26 =	simm.s32 $execute0_lowered;
	[smem:$0x3FD2] =	sst s25  }
0xab: {  	s9 =	sshll.u32 s26, $0x1;
	_ =	strace $0x80000046;
	[dreg:$0x1] =	wrdreg $0xFFFFFFFF  }
0xac: {  	s28 =	simm.s32 $_size_execute0_lowered;
	s8 =	sadd.s32 s8, s9;
	[dreg:$0x0] =	wrdreg $0x0  }
0xad: {  	s9 =	sshll.u32 s28, $0x1;
	[dreg:$0x2] =	wrdreg s8  }
0xae: {  	[dreg:$0x3] =	wrdreg s9  }
0xaf: {  	[dreg:$0x4] =	wrdreg $0xC0  }
0xb0: {  	_ =	task [dreg:s12], $0x5FFFF  }
0xb1: {  	[dreg:$0x1] =	wrdreg $0xFFFFFFFF  }
0xb2: {  	[dreg:$0x0] =	wrdreg $0x60  }
0xb3: {  	[dreg:$0x2] =	wrdreg s2  }
0xb4: {  	[dreg:$0x3] =	wrdreg s19  }
0xb5: {  	[dreg:$0x4] =	wrdreg s4  }
0xb6: {  	[dreg:$0x5] =	wrdreg s5  }
0xb7: {  	[dreg:$0x6] =	wrdreg s6  }
0xb8: {  	[dreg:$0x7] =	wrdreg s7  }
0xb9: {  	[dreg:$0x8] =	wrdreg $0x9  }
0xba: {  	_ =	task.clear_ibuf [dreg:s12], $0x9FFFF;
	_ =	strace $0x90000046  }
0xbb: {  	s29 =	simm.s32 $0x9;
	_ =	strace $0x80000048  }
0xbc: {  	_ =	swait.ge [sflag:s29], $0x1  }
0xbd: {  	[sflag:s29] =	ssyncadd.s32 $0xFFFFFFFF  }
0xbe: {  	_ =	strace $0x90000048  }
0xbf: {  	_ =	sfence  }
0xc0: {  	s30 =	sld [smem:$0x0];
	_ =	sdelay $0x2  }
0xc1: {  	s31 =	sshll.u32 s1, $0xD;
	s1 =	sshrl.u32 s1, $0x2  }
0xc2: {  	s3 =	sand.u32 $0x4000, s31;
	s1 =	sadd.s32 s1, s30  }
0xc3: {  	s0 =	sor.u32 s3, s0;
	s1 =	sshll.u32 s1, $0x11  }
0xc4: {  	s0 =	sor.u32 s1, s0  }
0xc5: {  	s0 =	sadd.s32 $0x8F2B, s0  }
0xc6: {  	[sflag:s0] =	ssyncadd.remote.s32 $0x1  }
0xc7: {  	_ =	sfence.sel $0xFFFF  }
0xc8: {  	[dreg:$0x0] =	wrdreg $0xFFFFFFFF;
	(pc) =	sbr.abs _section_cstart, $3  }
0xc9: {  	[dreg:$0x1] =	wrdreg $0xFFFFFFFF  }
0xca: {  	_ =	task.clear_ibuf [dreg:s12], $0x2FFFF;
	_ =	strace $0x9FFFFFFF  }
0xcb: {  	(tm) =	ssettm $0x7FFFFFFF  }
tec
execute0_lowered:
.L_overlay_start_1:
0x0: {  	(tag) =	ssettag $0x1  }
0x1: {  	s0 =	rddreg [dreg:$0x0]  }
0x2: {  	s2 =	rddreg [dreg:$0x1]  }
0x3: {  	s1 =	rddreg [dreg:$0x2]  }
0x4: {  	s3 =	rddreg [dreg:$0x3];
	s4 =	srdreg.scid  }
0x5: {  	s7 =	stileid.u32;
	s6 =	rddreg [dreg:$0x5];
	s29 =	simm.s32 $0x5  }
0x6: {  	s30 =	simm.s32 $0x40;
	s31 =	simm.s32 $0x8400;
	s5 =	sand.u32 $0x1, s4  }
0x7: {  	s28 =	simm.s32 $0xB;
	s7 =	sshll.u32 s7, $0x7;
	s8 =	sshll.u32 s5, $0x6  }
0x8: {  	s4 =	simm.s32 $0x0;
	s5 =	ssub.s32 $0x2, s5;
	s7 =	sor.u32 s8, s7  }
0x9: {  	[smem:$0x7FF] =	sst s4;
	s11 =	sshrl.u32 s5, $0x1;
	s9 =	sshll.u32 s7, $0x2  }
0xa: {  	_ =	strace $0x80000047;
	s5 =	ssub.s32 s5, s11;
	s10 =	sand.u32 $0x1E00, s9  }
0xb: {  	s24 =	sshll.u32 s7, $0x4;
	s7 =	simm.s32 $0x3;
	s10 =	sor.u32 s8, s10  }
0xc: {  	s18 =	smax.u32 s5, $0x1;
	s8 =	sor.u32 s8, s9;
	s19 =	sshrl.u32 s10, $0x3  }
0xd: {  	s5 =	simm.s32 $0x1;
	s8 =	sshrl.u32 s8, $0x3;
	s10 =	sadd.s32 s0, s19  }
0xe: {  	s20 =	sor.u32 $0x10, s19;
	s23 =	sadd.s32 s2, s19;
	[dreg:$0x7] =	wrdreg s10  }
0xf: {  	s21 =	sor.u32 $0x20, s8;
	s12 =	sadd.s32 s0, s20;
	[dreg:$0xb] =	wrdreg s23  }
0x10: {  	s8 =	sor.u32 $0x30, s8;
	s22 =	sadd.s32 s0, s21;
	[dreg:$0x8] =	wrdreg s12  }
0x11: {  	s19 =	simm.s32 $0x4;
	s0 =	sadd.s32 s0, s8;
	[dreg:$0x9] =	wrdreg s22  }
0x12: {  	s25 =	sadd.s32 s2, s20;
	s26 =	sadd.s32 s2, s21;
	[dreg:$0xa] =	wrdreg s0  }
0x13: {  	s2 =	sadd.s32 s2, s8;
	s23 =	simm.s32 $0x8;
	[dreg:$0xc] =	wrdreg s25  }
0x14: {  	s20 =	simm.s32 $0xC;
	s8 =	simm.s32 $0x0;
	[dreg:$0xd] =	wrdreg s26  }
0x15: {  	s12 =	sadd.s32 s6, s24;
	[dreg:$0xe] =	wrdreg s2;
	s0 =	sadd.s32 s3, s24  }
0x16: {  	s2 =	simm.s32 $0x6;
	s3 =	simm.s32 $0x7;
	s22 =	simm.s32 $0xC400  }
0x17: {  	s24 =	simm.s32 $0xE400;
	s25 =	simm.s32 $0x9;
	s26 =	simm.s32 $0xA  }
0x18: {  	s6 =	simm.s32 $0x2;
	[dreg:$0xf] =	wrdreg s0;
	s15 =	sadd.s32 $0x8000, s12  }
0x19: {  	s16 =	sadd.s32 $0x10000, s12;
	s17 =	sadd.s32 $0x18000, s12;
	s0 =	simm.s32 $0xA400  }
.LBB2_1:
0x1a: {  	s9 =	rddreg [dreg:$0x7]  }
0x1b: {  	[tilespmem:s4], [sflag:$0x5] =	stream.linear.gather [hbm4b:s9+s4], $0x40, $0x38;
	[tilespmem:$0x12500] =	vst v63  }
0x1c: {  	s11 =	rddreg [dreg:$0x8];
	s10 =	simm.s32 $0x80  }
0x1d: {  	[tilespmem:s10], [sflag:$0x6] =	stream.linear.gather [hbm4b:s11+s4], $0x40, $0x38;
	[tilespmem:$0x12500] =	vst v63  }
0x1e: {  	s13 =	rddreg [dreg:$0x9];
	s11 =	simm.s32 $0x100  }
0x1f: {  	[tilespmem:s11], [sflag:$0x7] =	stream.linear.gather [hbm4b:s13+s4], $0x40, $0x38;
	[tilespmem:$0x12500] =	vst v63  }
0x20: {  	s14 =	rddreg [dreg:$0xa];
	s13 =	simm.s32 $0x180  }
0x21: {  	[tilespmem:s13], [sflag:$0x8] =	stream.linear.gather [hbm4b:s14+s4], $0x40, $0x38;
	[tilespmem:$0x12500] =	vst v63  }
0x22: {  	s21 =	rddreg [dreg:$0xb];
	s14 =	simm.s32 $0x200  }
0x23: {  	[tilespmem:s14], [sflag:$0x9] =	stream.linear.gather [hbm4b:s21+s4], $0x40, $0x38;
	[tilespmem:$0x12500] =	vst v63  }
0x24: {  	s14 =	rddreg [dreg:$0xc];
	s21 =	simm.s32 $0x280  }
0x25: {  	[tilespmem:s21], [sflag:$0x9] =	stream.linear.gather [hbm4b:s14+s4], $0x40, $0x38;
	[tilespmem:$0x12500] =	vst v63  }
0x26: {  	s14 =	rddreg [dreg:$0xd];
	s21 =	simm.s32 $0x300  }
0x27: {  	[tilespmem:s21], [sflag:$0x9] =	stream.linear.gather [hbm4b:s14+s4], $0x40, $0x38;
	[tilespmem:$0x12500] =	vst v63  }
0x28: {  	s14 =	rddreg [dreg:$0xe];
	s21 =	simm.s32 $0x380  }
0x29: {  	[tilespmem:s21], [sflag:$0x9] =	stream.linear.gather [hbm4b:s14+s4], $0x40, $0x38;
	[tilespmem:$0x12500] =	vst v63  }
0x2a: {  	s14 =	rddreg [dreg:$0x4];
	s21 =	simm.s32 $0x12400  }
0x2b: {  	[tilespmem:s21], [sflag:$0xA] =	stream.linear.gather [hbm4b:s14+s4], $0x100, $0x38;
	[tilespmem:$0x12500] =	vst v63  }
0x2c: {  	s14 =	rddreg [dreg:$0xf];
	s21 =	simm.s32 $0x10400  }
0x2d: {  	[tilespmem:s21], [sflag:$0xB] =	stream.linear.gather [hbm4b:s14+s4], $0x2000, $0x38;
	[tilespmem:$0x12500] =	vst v63  }
0x2e: {  	_ =	swait.ge [sflag:s29], $0x40  }
0x2f: {  	[sflag:s29] =	ssyncset.done $0x0  }
0x30: {  	[sflag:s29] =	ssyncadd.s32 $0xFFFFFFC0  }
0x31: {  	[tilespmem:s31], [sflag:$0x1] =	stream.indirect.gather [hbm4b:s1+s30], $0x80, s4, s30, $0xb8;
	[tilespmem:$0x12500] =	vst v63  }
0x32: {  	_ =	swait.ge [sflag:s2], $0x40  }
0x33: {  	[sflag:s2] =	ssyncset.done $0x0  }
0x34: {  	[sflag:s2] =	ssyncadd.s32 $0xFFFFFFC0  }
0x35: {  	[tilespmem:s0], [sflag:$0x2] =	stream.indirect.gather [hbm4b:s1+s30], $0x80, s10, s30, $0xb8;
	[tilespmem:$0x12500] =	vst v63  }
0x36: {  	_ =	swait.ge [sflag:s3], $0x40  }
0x37: {  	[sflag:s3] =	ssyncset.done $0x0  }
0x38: {  	[sflag:s3] =	ssyncadd.s32 $0xFFFFFFC0  }
0x39: {  	[tilespmem:s22], [sflag:$0x3] =	stream.indirect.gather [hbm4b:s1+s30], $0x80, s11, s30, $0xb8;
	[tilespmem:$0x12500] =	vst v63  }
0x3a: {  	_ =	swait.ge [sflag:s23], $0x40  }
0x3b: {  	[sflag:s23] =	ssyncset.done $0x0  }
0x3c: {  	[sflag:s23] =	ssyncadd.s32 $0xFFFFFFC0  }
0x3d: {  	[tilespmem:s24], [sflag:$0x4] =	stream.indirect.gather [hbm4b:s1+s30], $0x80, s13, s30, $0xb8;
	[tilespmem:$0x12500] =	vst v63  }
0x3e: {  	_ =	swait.ge [sflag:s25], $0x40  }
0x3f: {  	[sflag:s25] =	ssyncset.done $0x0  }
0x40: {  	[sflag:s25] =	ssyncadd.s32 $0xFFFFFFC0  }
0x41: {  	_ =	swait.ge [sflag:s25], $0x40  }
0x42: {  	[sflag:s25] =	ssyncset.done $0x0  }
0x43: {  	[sflag:s25] =	ssyncadd.s32 $0xFFFFFFC0  }
0x44: {  	_ =	swait.ge [sflag:s25], $0x40  }
0x45: {  	[sflag:s25] =	ssyncset.done $0x0  }
0x46: {  	[sflag:s25] =	ssyncadd.s32 $0xFFFFFFC0  }
0x47: {  	_ =	swait.ge [sflag:s25], $0x40  }
0x48: {  	[sflag:s25] =	ssyncset.done $0x0  }
0x49: {  	[sflag:s25] =	ssyncadd.s32 $0xFFFFFFC0  }
0x4a: {  	s13 =	simm.s32 $0x0;
	_ =	swait.ge [sflag:s26], $0x100  }
0x4b: {  	s14 =	sand.u32 $0x30, s4;
	s9 =	sand.u32 $0x3FFFFF80, s13;
	[sflag:s26] =	ssyncset.done $0x0  }
0x4c: {  	s9 =	sor.u32 s14, s9;
	[sflag:s26] =	ssyncadd.s32 $0xFFFFFF00  }
0x4d: {  	v0 =	vld [tilespmem:s9+$0x200];
	_ =	sdelay $0x4  }
0x4e: {  	v0 =	vcvt.s32.f32 v0  }
0x4f: {  	s21 =	simm.s32 $0x0  }
0x50: {  	s10 =	sshll.u32 s14, $0x7;
	s9 =	sand.u32 $0x3FFFE000, s21;
	v1 =	vbroadcast v0, $0x0  }
0x51: {  	s21 =	sor.u32 s10, s9;
	v2 =	vbroadcast v0, $0x1  }
0x52: {  	v3 =	vbroadcast v0, $0x2;
	[tilespmem:s21+$0x400] =	vst v1  }
0x53: {  	v1 =	vbroadcast v0, $0x3;
	[tilespmem:s21+$0x480] =	vst v2  }
0x54: {  	v2 =	vbroadcast v0, $0x4;
	[tilespmem:s21+$0x500] =	vst v3  }
0x55: {  	v3 =	vbroadcast v0, $0x5;
	[tilespmem:s21+$0x580] =	vst v1  }
0x56: {  	v1 =	vbroadcast v0, $0x6;
	[tilespmem:s21+$0x600] =	vst v2  }
0x57: {  	v2 =	vbroadcast v0, $0x7;
	[tilespmem:s21+$0x680] =	vst v3  }
0x58: {  	v3 =	vbroadcast v0, $0x8;
	[tilespmem:s21+$0x700] =	vst v1  }
0x59: {  	v1 =	vbroadcast v0, $0x9;
	[tilespmem:s21+$0x780] =	vst v2  }
0x5a: {  	v2 =	vbroadcast v0, $0xA;
	[tilespmem:s21+$0x800] =	vst v3  }
0x5b: {  	v3 =	vbroadcast v0, $0xB;
	[tilespmem:s21+$0x880] =	vst v1  }
0x5c: {  	v1 =	vbroadcast v0, $0xC;
	[tilespmem:s21+$0x900] =	vst v2  }
0x5d: {  	v2 =	vbroadcast v0, $0xD;
	[tilespmem:s21+$0x980] =	vst v3  }
0x5e: {  	s11 =	simm.s32 $0x10;
	[tilespmem:s21+$0xA00] =	vst v1;
	v1 =	vbroadcast v0, $0xE  }
0x5f: {  	s13 =	simm.s32 $0x20;
	s9 =	simm.s32 $0x1;
	s10 =	simm.s32 $0x2;
	v0 =	vbroadcast v0, $0xF;
	[tilespmem:s21+$0xA80] =	vst v2  }
.LBB2_2:
0x60: {  	p0 =	sne.s32 s10, $0xF;
	s14 =	sand.u32 $0x30, s11;
	s13 =	sand.u32 $0x3FFFFF80, s13;
	[tilespmem:s21+$0xB00] =	vst v1  }
0x61: {  	s13 =	sor.u32 s14, s13;
	[tilespmem:s21+$0xB80] =	vst v0  }
0x62: {  	v0 =	vld [tilespmem:s13+$0x200];
	_ =	sdelay $0x4  }
0x63: {  	v0 =	vcvt.s32.f32 v0  }
0x64: {  	s13 =	sshll.u32 s9, $0xB;
	s9 =	smov.u32 s10  }
0x65: {  	s14 =	sshll.u32 s14, $0x7;
	s13 =	sand.u32 $0x3FFFE000, s13;
	v1 =	vbroadcast v0, $0x0;
	v2 =	vbroadcast v0, $0x1  }
0x66: {  	s21 =	sor.u32 s14, s13;
	v3 =	vbroadcast v0, $0x2;
	v4 =	vbroadcast v0, $0x3  }
0x67: {  	v5 =	vbroadcast v0, $0x5;
	[tilespmem:s21+$0x400] =	vst v1;
	v1 =	vbroadcast v0, $0x4  }
0x68: {  	v6 =	vbroadcast v0, $0x7;
	[tilespmem:s21+$0x480] =	vst v2;
	v2 =	vbroadcast v0, $0x6  }
0x69: {  	v7 =	vbroadcast v0, $0x9;
	[tilespmem:s21+$0x500] =	vst v3;
	v3 =	vbroadcast v0, $0x8  }
0x6a: {  	v8 =	vbroadcast v0, $0xB;
	[tilespmem:s21+$0x580] =	vst v4;
	v4 =	vbroadcast v0, $0xA  }
0x6b: {  	v9 =	vbroadcast v0, $0xC;
	v10 =	vbroadcast v0, $0xD;
	[tilespmem:s21+$0x600] =	vst v1  }
0x6c: {  	v1 =	vbroadcast v0, $0xE;
	v0 =	vbroadcast v0, $0xF;
	[tilespmem:s21+$0x680] =	vst v5  }
0x6d: {  	[tilespmem:s21+$0x700] =	vst v2  }
0x6e: {  	[tilespmem:s21+$0x780] =	vst v6  }
0x6f: {  	[tilespmem:s21+$0x800] =	vst v3  }
.Ltmp0:
0x70: {  	[tilespmem:s21+$0x880] =	vst v7;
	(pc) =	sbr.rel @p0 .LBB2_2-.Ltmp0, $4  }
0x71: {  	[tilespmem:s21+$0x900] =	vst v4  }
0x72: {  	[tilespmem:s21+$0x980] =	vst v8  }
0x73: {  	[tilespmem:s21+$0xA00] =	vst v9  }
0x74: {  	s11 =	sadd.s32 $0x10, s11;
	s10 =	sadd.s32 $0x1, s10;
	s13 =	sshll.u32 s9, $0x5;
	[tilespmem:s21+$0xA80] =	vst v10  }
0x75: {  	s10 =	sand.u32 $0x30, s11;
	s14 =	sand.u32 $0x3FFFFF80, s13;
	[tilespmem:s21+$0xB00] =	vst v1  }
0x76: {  	[tilespmem:s21+$0xB80] =	vst v0;
	s11 =	sor.u32 s10, s14  }
0x77: {  	v0 =	vld [tilespmem:s11+$0x200];
	_ =	sdelay $0x4  }
0x78: {  	v0 =	vcvt.s32.f32 v0  }
0x79: {  	s9 =	sshll.u32 s9, $0xB  }
0x7a: {  	s9 =	sand.u32 $0x3FFFE000, s9;
	s10 =	sshll.u32 s10, $0x7;
	v1 =	vbroadcast v0, $0x0  }
0x7b: {  	s9 =	sor.u32 s10, s9;
	v2 =	vbroadcast v0, $0x1  }
0x7c: {  	v3 =	vbroadcast v0, $0x2;
	[tilespmem:s9+$0x400] =	vst v1  }
0x7d: {  	v1 =	vbroadcast v0, $0x3;
	[tilespmem:s9+$0x480] =	vst v2  }
0x7e: {  	v2 =	vbroadcast v0, $0x4;
	[tilespmem:s9+$0x500] =	vst v3  }
0x7f: {  	v3 =	vbroadcast v0, $0x5;
	[tilespmem:s9+$0x580] =	vst v1  }
0x80: {  	v1 =	vbroadcast v0, $0x6;
	[tilespmem:s9+$0x600] =	vst v2  }
0x81: {  	v2 =	vbroadcast v0, $0x7;
	[tilespmem:s9+$0x680] =	vst v3  }
0x82: {  	v3 =	vbroadcast v0, $0x8;
	[tilespmem:s9+$0x700] =	vst v1  }
0x83: {  	v1 =	vbroadcast v0, $0x9;
	[tilespmem:s9+$0x780] =	vst v2  }
0x84: {  	v2 =	vbroadcast v0, $0xA;
	[tilespmem:s9+$0x800] =	vst v3  }
0x85: {  	v3 =	vbroadcast v0, $0xB;
	[tilespmem:s9+$0x880] =	vst v1  }
0x86: {  	v1 =	vbroadcast v0, $0xC;
	[tilespmem:s9+$0x900] =	vst v2  }
0x87: {  	v2 =	vbroadcast v0, $0xD;
	[tilespmem:s9+$0x980] =	vst v3  }
0x88: {  	v3 =	vbroadcast v0, $0xE;
	[tilespmem:s9+$0xA00] =	vst v1  }
0x89: {  	v0 =	vbroadcast v0, $0xF;
	[tilespmem:s9+$0xA80] =	vst v2  }
0x8a: {  	[tilespmem:s9+$0xB00] =	vst v3  }
0x8b: {  	[tilespmem:s9+$0xB80] =	vst v0  }
0x8c: {  	v0 =	vld [tilespmem:$0x12400]  }
0x8d: {  	v2 =	vld [tilespmem:$0x12410]  }
0x8e: {  	v3 =	vld [tilespmem:$0x12420]  }
0x8f: {  	v5 =	vld [tilespmem:$0x12430]  }
0x90: {  	v6 =	vld [tilespmem:$0x12440]  }
0x91: {  	v7 =	vld [tilespmem:$0x12450]  }
0x92: {  	v4 =	vld [tilespmem:$0x12460]  }
0x93: {  	v1 =	vld [tilespmem:$0x12470]  }
0x94: {  	v8 =	vld [tilespmem:$0x12480]  }
0x95: {  	v9 =	vld [tilespmem:$0x12490]  }
0x96: {  	v10 =	vld [tilespmem:$0x124A0]  }
0x97: {  	v11 =	vld [tilespmem:$0x124B0]  }
0x98: {  	v12 =	vld [tilespmem:$0x124C0]  }
0x99: {  	v13 =	vld [tilespmem:$0x124D0]  }
0x9a: {  	v14 =	vld [tilespmem:$0x124E0]  }
0x9b: {  	v15 =	vld [tilespmem:$0x124F0];
	_ =	swait.ge [sflag:s28], $0x2000  }
0x9c: {  	[sflag:s28] =	ssyncset.done $0x0  }
0x9d: {  	[sflag:s28] =	ssyncadd.s32 $0xFFFFE000  }
0x9e: {  	_ =	swait.ge [sflag:s5], $0x2000  }
0x9f: {  	[sflag:s5] =	ssyncset.done $0x0  }
0xa0: {  	s21 =	simm.s32 $0x0;
	[sflag:s5] =	ssyncadd.s32 $0xFFFFE000  }
0xa1: {  	v23 =	vld [tilespmem:s21+$0x10400]  }
0xa2: {  	v21 =	vld [tilespmem:s21+$0x10410]  }
0xa3: {  	v16 =	vld [tilespmem:s21+$0x10420]  }
0xa4: {  	v36 =	vld [tilespmem:s21+$0x400]  }
0xa5: {  	v22 =	vld [tilespmem:s21+$0x10430]  }
0xa6: {  	v20 =	vld [tilespmem:s21+$0x10440]  }
0xa7: {  	v8 =	vsub.f32 v8, v0;
	v9 =	vsub.f32 v9, v2;
	v19 =	vld [tilespmem:s21+$0x10450]  }
0xa8: {  	v10 =	vsub.f32 v10, v3;
	v11 =	vsub.f32 v11, v5;
	v17 =	vld [tilespmem:s21+$0x10460]  }
0xa9: {  	v12 =	vsub.f32 v12, v6;
	v13 =	vsub.f32 v13, v7;
	v18 =	vld [tilespmem:s21+$0x10470];
	v24 =	vmul.f32 v36, v8  }
0xaa: {  	v14 =	vsub.f32 v14, v4;
	v29 =	vld [tilespmem:s21+$0x8400];
	v25 =	vmul.f32 v36, v9;
	v26 =	vmul.f32 v36, v10  }
0xab: {  	v15 =	vsub.f32 v15, v1;
	v32 =	vld [tilespmem:s21+$0x8410];
	v31 =	vmul.f32 v36, v11;
	v37 =	vmul.f32 v36, v12  }
0xac: {  	v34 =	vld [tilespmem:s21+$0x8420];
	v30 =	vadd.f32 v24, v0;
	v28 =	vadd.f32 v25, v2;
	v24 =	vmul.f32 v36, v13  }
0xad: {  	v33 =	vld [tilespmem:s21+$0x8430];
	v35 =	vmul.f32 v36, v14;
	v27 =	vadd.f32 v26, v3;
	v26 =	vadd.f32 v31, v5  }
0xae: {  	s9 =	simm.s32 $0x200;
	v31 =	vld [tilespmem:s21+$0x8440];
	v25 =	vadd.f32 v37, v6;
	v36 =	vmul.f32 v36, v15;
	v24 =	vadd.f32 v24, v7  }
.LBB2_4:
0xaf: {  	p0 =	sne.s32 s9, $0x7E00;
	v23 =	vadd.f32 v23, v29;
	v29 =	vld [tilespmem:s21+$0x8450];
	v35 =	vadd.f32 v35, v4  }
0xb0: {  	v21 =	vadd.f32 v21, v32;
	v32 =	vld [tilespmem:s21+$0x8460];
	v36 =	vadd.f32 v36, v1  }
0xb1: {  	s10 =	sshra.s32 s9, $0x2;
	v30 =	vadd.f32 v23, v30;
	v16 =	vadd.f32 v16, v34;
	v34 =	vld [tilespmem:s21+$0x8470]  }
0xb2: {  	v23 =	vld [tilespmem:s10+$0x10400];
	v28 =	vadd.f32 v21, v28;
	v22 =	vadd.f32 v22, v33  }
0xb3: {  	v21 =	vld [tilespmem:s10+$0x10410];
	[tilespmem:s21+$0x8400] =	vst v30;
	v27 =	vadd.f32 v16, v27;
	v20 =	vadd.f32 v20, v31  }
0xb4: {  	v16 =	vld [tilespmem:s10+$0x10420];
	[tilespmem:s21+$0x8410] =	vst v28;
	v26 =	vadd.f32 v22, v26;
	v19 =	vadd.f32 v19, v29  }
0xb5: {  	v37 =	vld [tilespmem:s10+$0x400];
	[tilespmem:s21+$0x8420] =	vst v27;
	v25 =	vadd.f32 v20, v25;
	v17 =	vadd.f32 v17, v32  }
0xb6: {  	v22 =	vld [tilespmem:s10+$0x10430];
	[tilespmem:s21+$0x8430] =	vst v26;
	v24 =	vadd.f32 v19, v24;
	v18 =	vadd.f32 v18, v34  }
0xb7: {  	v20 =	vld [tilespmem:s10+$0x10440];
	[tilespmem:s21+$0x8440] =	vst v25;
	v25 =	vadd.f32 v17, v35  }
0xb8: {  	v19 =	vld [tilespmem:s10+$0x10450];
	[tilespmem:s21+$0x8450] =	vst v24;
	v24 =	vadd.f32 v18, v36  }
0xb9: {  	v17 =	vld [tilespmem:s10+$0x10460];
	[tilespmem:s21+$0x8460] =	vst v25  }
0xba: {  	v25 =	vmul.f32 v37, v8;
	v18 =	vld [tilespmem:s10+$0x10470];
	[tilespmem:s21+$0x8470] =	vst v24;
	s21 =	smov.u32 s10  }
.Ltmp1:
0xbb: {  	v24 =	vmul.f32 v37, v9;
	v26 =	vmul.f32 v37, v10;
	v29 =	vld [tilespmem:s21+$0x8400];
	(pc) =	sbr.rel @p0 .LBB2_4-.Ltmp1, $4  }
0xbc: {  	v31 =	vmul.f32 v37, v11;
	v36 =	vmul.f32 v37, v12;
	v32 =	vld [tilespmem:s21+$0x8410]  }
0xbd: {  	v30 =	vadd.f32 v25, v0;
	v28 =	vadd.f32 v24, v2;
	v24 =	vmul.f32 v37, v13;
	v34 =	vld [tilespmem:s21+$0x8420]  }
0xbe: {  	v35 =	vmul.f32 v37, v14;
	v27 =	vadd.f32 v26, v3;
	v26 =	vadd.f32 v31, v5;
	v33 =	vld [tilespmem:s21+$0x8430]  }
0xbf: {  	s9 =	sadd.s32 $0x200, s9;
	v25 =	vadd.f32 v36, v6;
	v36 =	vmul.f32 v37, v15;
	v24 =	vadd.f32 v24, v7;
	v31 =	vld [tilespmem:s21+$0x8440]  }
0xc0: {  	v23 =	vadd.f32 v23, v29;
	v29 =	vld [tilespmem:s21+$0x8450];
	v35 =	vadd.f32 v35, v4  }
0xc1: {  	v62 =	vld [tilespmem:s21+$0x8460];
	v21 =	vadd.f32 v21, v32;
	v36 =	vadd.f32 v36, v1  }
0xc2: {  	v23 =	vadd.f32 v23, v30;
	v16 =	vadd.f32 v16, v34;
	v30 =	vld [tilespmem:s21+$0x8470]  }
0xc3: {  	v21 =	vadd.f32 v21, v28;
	v22 =	vadd.f32 v22, v33  }
0xc4: {  	[tilespmem:s21+$0x8400] =	vst v23;
	v16 =	vadd.f32 v16, v27;
	v20 =	vadd.f32 v20, v31  }
0xc5: {  	[tilespmem:s21+$0x8410] =	vst v21;
	v21 =	vadd.f32 v22, v26;
	v19 =	vadd.f32 v19, v29  }
0xc6: {  	v17 =	vadd.f32 v17, v62;
	[tilespmem:s21+$0x8420] =	vst v16;
	v16 =	vadd.f32 v20, v25  }
0xc7: {  	[tilespmem:s21+$0x8430] =	vst v21;
	v19 =	vadd.f32 v19, v24;
	v18 =	vadd.f32 v18, v30  }
0xc8: {  	[tilespmem:s21+$0x8440] =	vst v16;
	v16 =	vadd.f32 v17, v35  }
0xc9: {  	[tilespmem:s21+$0x8450] =	vst v19;
	v17 =	vadd.f32 v18, v36  }
0xca: {  	[tilespmem:s21+$0x8460] =	vst v16  }
0xcb: {  	s9 =	simm.s32 $0x0;
	[tilespmem:s21+$0x8470] =	vst v17  }
0xcc: {  	[hbm4b:s12+s9] =	stream.linear.scatter [tilespmem:s31], [sflag:$0xC], $0x2000, $0x38;
	[tilespmem:$0x12500] =	vst v63  }
0xcd: {  	_ =	swait.ge [sflag:s6], $0x2000  }
0xce: {  	[sflag:s6] =	ssyncset.done $0x0  }
0xcf: {  	s21 =	simm.s32 $0x0;
	[sflag:s6] =	ssyncadd.s32 $0xFFFFE000  }
0xd0: {  	v23 =	vld [tilespmem:s21+$0x10400]  }
0xd1: {  	v21 =	vld [tilespmem:s21+$0x10410]  }
0xd2: {  	v19 =	vld [tilespmem:s21+$0x10420]  }
0xd3: {  	v63 =	vld [tilespmem:s21+$0x2400]  }
0xd4: {  	v22 =	vld [tilespmem:s21+$0x10430]  }
0xd5: {  	v20 =	vld [tilespmem:s21+$0x10440]  }
0xd6: {  	v18 =	vld [tilespmem:s21+$0x10450]  }
0xd7: {  	v17 =	vld [tilespmem:s21+$0x10460]  }
0xd8: {  	v16 =	vld [tilespmem:s21+$0x10470];
	v24 =	vmul.f32 v63, v8  }
0xd9: {  	v31 =	vld [tilespmem:s21+$0xA400];
	v25 =	vmul.f32 v63, v9;
	v26 =	vmul.f32 v63, v10  }
0xda: {  	v32 =	vld [tilespmem:s21+$0xA410];
	v30 =	vmul.f32 v63, v11;
	v37 =	vmul.f32 v63, v12  }
0xdb: {  	v34 =	vld [tilespmem:s21+$0xA420];
	v29 =	vadd.f32 v24, v0;
	v28 =	vadd.f32 v25, v2;
	v24 =	vmul.f32 v63, v13  }
0xdc: {  	v33 =	vld [tilespmem:s21+$0xA430];
	v35 =	vmul.f32 v63, v14;
	v27 =	vadd.f32 v26, v3;
	v26 =	vadd.f32 v30, v5  }
0xdd: {  	s9 =	simm.s32 $0x200;
	v36 =	vmul.f32 v63, v15;
	v30 =	vld [tilespmem:s21+$0xA440];
	v25 =	vadd.f32 v37, v6;
	v24 =	vadd.f32 v24, v7  }
.LBB2_6:
0xde: {  	p0 =	sne.s32 s9, $0x7E00;
	v23 =	vadd.f32 v23, v31;
	v31 =	vld [tilespmem:s21+$0xA450];
	v35 =	vadd.f32 v35, v4  }
0xdf: {  	v21 =	vadd.f32 v21, v32;
	v32 =	vld [tilespmem:s21+$0xA460];
	v36 =	vadd.f32 v36, v1  }
0xe0: {  	s10 =	sshra.s32 s9, $0x2;
	v29 =	vadd.f32 v23, v29;
	v19 =	vadd.f32 v19, v34;
	v34 =	vld [tilespmem:s21+$0xA470]  }
0xe1: {  	v23 =	vld [tilespmem:s10+$0x10400];
	v28 =	vadd.f32 v21, v28;
	v22 =	vadd.f32 v22, v33  }
0xe2: {  	v21 =	vld [tilespmem:s10+$0x10410];
	[tilespmem:s21+$0xA400] =	vst v29;
	v27 =	vadd.f32 v19, v27;
	v20 =	vadd.f32 v20, v30  }
0xe3: {  	v19 =	vld [tilespmem:s10+$0x10420];
	[tilespmem:s21+$0xA410] =	vst v28;
	v26 =	vadd.f32 v22, v26;
	v18 =	vadd.f32 v18, v31  }
0xe4: {  	v37 =	vld [tilespmem:s10+$0x2400];
	[tilespmem:s21+$0xA420] =	vst v27;
	v25 =	vadd.f32 v20, v25;
	v17 =	vadd.f32 v17, v32  }
0xe5: {  	v22 =	vld [tilespmem:s10+$0x10430];
	[tilespmem:s21+$0xA430] =	vst v26;
	v24 =	vadd.f32 v18, v24;
	v16 =	vadd.f32 v16, v34  }
0xe6: {  	v20 =	vld [tilespmem:s10+$0x10440];
	[tilespmem:s21+$0xA440] =	vst v25;
	v25 =	vadd.f32 v17, v35  }
0xe7: {  	v18 =	vld [tilespmem:s10+$0x10450];
	[tilespmem:s21+$0xA450] =	vst v24;
	v24 =	vadd.f32 v16, v36  }
0xe8: {  	v17 =	vld [tilespmem:s10+$0x10460];
	[tilespmem:s21+$0xA460] =	vst v25  }
0xe9: {  	v25 =	vmul.f32 v37, v8;
	v16 =	vld [tilespmem:s10+$0x10470];
	[tilespmem:s21+$0xA470] =	vst v24;
	s21 =	smov.u32 s10  }
.Ltmp2:
0xea: {  	v24 =	vmul.f32 v37, v9;
	v26 =	vmul.f32 v37, v10;
	v31 =	vld [tilespmem:s21+$0xA400];
	(pc) =	sbr.rel @p0 .LBB2_6-.Ltmp2, $4  }
0xeb: {  	v30 =	vmul.f32 v37, v11;
	v36 =	vmul.f32 v37, v12;
	v32 =	vld [tilespmem:s21+$0xA410]  }
0xec: {  	v29 =	vadd.f32 v25, v0;
	v28 =	vadd.f32 v24, v2;
	v24 =	vmul.f32 v37, v13;
	v34 =	vld [tilespmem:s21+$0xA420]  }
0xed: {  	v35 =	vmul.f32 v37, v14;
	v27 =	vadd.f32 v26, v3;
	v26 =	vadd.f32 v30, v5;
	v33 =	vld [tilespmem:s21+$0xA430]  }
0xee: {  	s9 =	sadd.s32 $0x200, s9;
	v25 =	vadd.f32 v36, v6;
	v36 =	vmul.f32 v37, v15;
	v24 =	vadd.f32 v24, v7;
	v30 =	vld [tilespmem:s21+$0xA440]  }
0xef: {  	v23 =	vadd.f32 v23, v31;
	v31 =	vld [tilespmem:s21+$0xA450];
	v35 =	vadd.f32 v35, v4  }
0xf0: {  	v62 =	vld [tilespmem:s21+$0xA460];
	v21 =	vadd.f32 v21, v32;
	v36 =	vadd.f32 v36, v1  }
0xf1: {  	v23 =	vadd.f32 v23, v29;
	v19 =	vadd.f32 v19, v34;
	v29 =	vld [tilespmem:s21+$0xA470]  }
0xf2: {  	v21 =	vadd.f32 v21, v28;
	v22 =	vadd.f32 v22, v33  }
0xf3: {  	[tilespmem:s21+$0xA400] =	vst v23;
	v19 =	vadd.f32 v19, v27;
	v20 =	vadd.f32 v20, v30  }
0xf4: {  	[tilespmem:s21+$0xA410] =	vst v21;
	v21 =	vadd.f32 v22, v26;
	v18 =	vadd.f32 v18, v31  }
0xf5: {  	v17 =	vadd.f32 v17, v62;
	[tilespmem:s21+$0xA420] =	vst v19;
	v19 =	vadd.f32 v20, v25  }
0xf6: {  	[tilespmem:s21+$0xA430] =	vst v21;
	v18 =	vadd.f32 v18, v24;
	v16 =	vadd.f32 v16, v29  }
0xf7: {  	v17 =	vadd.f32 v17, v35;
	[tilespmem:s21+$0xA440] =	vst v19  }
0xf8: {  	[tilespmem:s21+$0xA450] =	vst v18;
	v16 =	vadd.f32 v16, v36  }
0xf9: {  	[tilespmem:s21+$0xA460] =	vst v17  }
0xfa: {  	s9 =	simm.s32 $0x0;
	[tilespmem:s21+$0xA470] =	vst v16  }
0xfb: {  	[hbm4b:s15+s9] =	stream.linear.scatter [tilespmem:s0], [sflag:$0xC], $0x2000, $0x38;
	[tilespmem:$0x12500] =	vst v63  }
0xfc: {  	_ =	swait.ge [sflag:s7], $0x2000  }
0xfd: {  	[sflag:s7] =	ssyncset.done $0x0  }
0xfe: {  	s21 =	simm.s32 $0x0;
	[sflag:s7] =	ssyncadd.s32 $0xFFFFE000  }
0xff: {  	v23 =	vld [tilespmem:s21+$0x10400]  }
0x100: {  	v21 =	vld [tilespmem:s21+$0x10410]  }
0x101: {  	v19 =	vld [tilespmem:s21+$0x10420]  }
0x102: {  	v63 =	vld [tilespmem:s21+$0x4400]  }
0x103: {  	v22 =	vld [tilespmem:s21+$0x10430]  }
0x104: {  	v20 =	vld [tilespmem:s21+$0x10440]  }
0x105: {  	v18 =	vld [tilespmem:s21+$0x10450]  }
0x106: {  	v17 =	vld [tilespmem:s21+$0x10460]  }
0x107: {  	v16 =	vld [tilespmem:s21+$0x10470];
	v24 =	vmul.f32 v63, v8  }
0x108: {  	v31 =	vld [tilespmem:s21+$0xC400];
	v25 =	vmul.f32 v63, v9;
	v26 =	vmul.f32 v63, v10  }
0x109: {  	v32 =	vld [tilespmem:s21+$0xC410];
	v30 =	vmul.f32 v63, v11;
	v37 =	vmul.f32 v63, v12  }
0x10a: {  	v34 =	vld [tilespmem:s21+$0xC420];
	v29 =	vadd.f32 v24, v0;
	v28 =	vadd.f32 v25, v2;
	v24 =	vmul.f32 v63, v13  }
0x10b: {  	v33 =	vld [tilespmem:s21+$0xC430];
	v35 =	vmul.f32 v63, v14;
	v27 =	vadd.f32 v26, v3;
	v26 =	vadd.f32 v30, v5  }
0x10c: {  	s9 =	simm.s32 $0x200;
	v36 =	vmul.f32 v63, v15;
	v30 =	vld [tilespmem:s21+$0xC440];
	v25 =	vadd.f32 v37, v6;
	v24 =	vadd.f32 v24, v7  }
.LBB2_8:
0x10d: {  	p0 =	sne.s32 s9, $0x7E00;
	v23 =	vadd.f32 v23, v31;
	v31 =	vld [tilespmem:s21+$0xC450];
	v35 =	vadd.f32 v35, v4  }
0x10e: {  	v21 =	vadd.f32 v21, v32;
	v32 =	vld [tilespmem:s21+$0xC460];
	v36 =	vadd.f32 v36, v1  }
0x10f: {  	s10 =	sshra.s32 s9, $0x2;
	v29 =	vadd.f32 v23, v29;
	v19 =	vadd.f32 v19, v34;
	v34 =	vld [tilespmem:s21+$0xC470]  }
0x110: {  	v23 =	vld [tilespmem:s10+$0x10400];
	v28 =	vadd.f32 v21, v28;
	v22 =	vadd.f32 v22, v33  }
0x111: {  	v21 =	vld [tilespmem:s10+$0x10410];
	[tilespmem:s21+$0xC400] =	vst v29;
	v27 =	vadd.f32 v19, v27;
	v20 =	vadd.f32 v20, v30  }
0x112: {  	v19 =	vld [tilespmem:s10+$0x10420];
	[tilespmem:s21+$0xC410] =	vst v28;
	v26 =	vadd.f32 v22, v26;
	v18 =	vadd.f32 v18, v31  }
0x113: {  	v37 =	vld [tilespmem:s10+$0x4400];
	[tilespmem:s21+$0xC420] =	vst v27;
	v25 =	vadd.f32 v20, v25;
	v17 =	vadd.f32 v17, v32  }
0x114: {  	v22 =	vld [tilespmem:s10+$0x10430];
	[tilespmem:s21+$0xC430] =	vst v26;
	v24 =	vadd.f32 v18, v24;
	v16 =	vadd.f32 v16, v34  }
0x115: {  	v20 =	vld [tilespmem:s10+$0x10440];
	[tilespmem:s21+$0xC440] =	vst v25;
	v25 =	vadd.f32 v17, v35  }
0x116: {  	v18 =	vld [tilespmem:s10+$0x10450];
	[tilespmem:s21+$0xC450] =	vst v24;
	v24 =	vadd.f32 v16, v36  }
0x117: {  	v17 =	vld [tilespmem:s10+$0x10460];
	[tilespmem:s21+$0xC460] =	vst v25  }
0x118: {  	v25 =	vmul.f32 v37, v8;
	v16 =	vld [tilespmem:s10+$0x10470];
	[tilespmem:s21+$0xC470] =	vst v24;
	s21 =	smov.u32 s10  }
.Ltmp3:
0x119: {  	v24 =	vmul.f32 v37, v9;
	v26 =	vmul.f32 v37, v10;
	v31 =	vld [tilespmem:s21+$0xC400];
	(pc) =	sbr.rel @p0 .LBB2_8-.Ltmp3, $4  }
0x11a: {  	v30 =	vmul.f32 v37, v11;
	v36 =	vmul.f32 v37, v12;
	v32 =	vld [tilespmem:s21+$0xC410]  }
0x11b: {  	v29 =	vadd.f32 v25, v0;
	v28 =	vadd.f32 v24, v2;
	v24 =	vmul.f32 v37, v13;
	v34 =	vld [tilespmem:s21+$0xC420]  }
0x11c: {  	v35 =	vmul.f32 v37, v14;
	v27 =	vadd.f32 v26, v3;
	v26 =	vadd.f32 v30, v5;
	v33 =	vld [tilespmem:s21+$0xC430]  }
0x11d: {  	s9 =	sadd.s32 $0x200, s9;
	v25 =	vadd.f32 v36, v6;
	v36 =	vmul.f32 v37, v15;
	v24 =	vadd.f32 v24, v7;
	v30 =	vld [tilespmem:s21+$0xC440]  }
0x11e: {  	v23 =	vadd.f32 v23, v31;
	v31 =	vld [tilespmem:s21+$0xC450];
	v35 =	vadd.f32 v35, v4  }
0x11f: {  	v62 =	vld [tilespmem:s21+$0xC460];
	v21 =	vadd.f32 v21, v32;
	v36 =	vadd.f32 v36, v1  }
0x120: {  	v23 =	vadd.f32 v23, v29;
	v19 =	vadd.f32 v19, v34;
	v29 =	vld [tilespmem:s21+$0xC470]  }
0x121: {  	v21 =	vadd.f32 v21, v28;
	v22 =	vadd.f32 v22, v33  }
0x122: {  	[tilespmem:s21+$0xC400] =	vst v23;
	v19 =	vadd.f32 v19, v27;
	v20 =	vadd.f32 v20, v30  }
0x123: {  	[tilespmem:s21+$0xC410] =	vst v21;
	v21 =	vadd.f32 v22, v26;
	v18 =	vadd.f32 v18, v31  }
0x124: {  	v17 =	vadd.f32 v17, v62;
	[tilespmem:s21+$0xC420] =	vst v19;
	v19 =	vadd.f32 v20, v25  }
0x125: {  	[tilespmem:s21+$0xC430] =	vst v21;
	v18 =	vadd.f32 v18, v24;
	v16 =	vadd.f32 v16, v29  }
0x126: {  	v17 =	vadd.f32 v17, v35;
	[tilespmem:s21+$0xC440] =	vst v19  }
0x127: {  	[tilespmem:s21+$0xC450] =	vst v18;
	v16 =	vadd.f32 v16, v36  }
0x128: {  	[tilespmem:s21+$0xC460] =	vst v17  }
0x129: {  	s9 =	simm.s32 $0x0;
	[tilespmem:s21+$0xC470] =	vst v16  }
0x12a: {  	[hbm4b:s16+s9] =	stream.linear.scatter [tilespmem:s22], [sflag:$0xC], $0x2000, $0x38;
	[tilespmem:$0x12500] =	vst v63  }
0x12b: {  	_ =	swait.ge [sflag:s19], $0x2000  }
0x12c: {  	[sflag:s19] =	ssyncset.done $0x0  }
0x12d: {  	s21 =	simm.s32 $0x0;
	[sflag:s19] =	ssyncadd.s32 $0xFFFFE000  }
0x12e: {  	v23 =	vld [tilespmem:s21+$0x10400]  }
0x12f: {  	v21 =	vld [tilespmem:s21+$0x10410]  }
0x130: {  	v19 =	vld [tilespmem:s21+$0x10420]  }
0x131: {  	v63 =	vld [tilespmem:s21+$0x6400]  }
0x132: {  	v22 =	vld [tilespmem:s21+$0x10430]  }
0x133: {  	v20 =	vld [tilespmem:s21+$0x10440]  }
0x134: {  	v18 =	vld [tilespmem:s21+$0x10450]  }
0x135: {  	v17 =	vld [tilespmem:s21+$0x10460]  }
0x136: {  	v16 =	vld [tilespmem:s21+$0x10470];
	v24 =	vmul.f32 v63, v8  }
0x137: {  	v31 =	vld [tilespmem:s21+$0xE400];
	v25 =	vmul.f32 v63, v9;
	v26 =	vmul.f32 v63, v10  }
0x138: {  	v32 =	vld [tilespmem:s21+$0xE410];
	v30 =	vmul.f32 v63, v11;
	v37 =	vmul.f32 v63, v12  }
0x139: {  	v34 =	vld [tilespmem:s21+$0xE420];
	v29 =	vadd.f32 v24, v0;
	v28 =	vadd.f32 v25, v2;
	v24 =	vmul.f32 v63, v13  }
0x13a: {  	v33 =	vld [tilespmem:s21+$0xE430];
	v35 =	vmul.f32 v63, v14;
	v27 =	vadd.f32 v26, v3;
	v26 =	vadd.f32 v30, v5  }
0x13b: {  	s9 =	simm.s32 $0x200;
	v36 =	vmul.f32 v63, v15;
	v30 =	vld [tilespmem:s21+$0xE440];
	v25 =	vadd.f32 v37, v6;
	v24 =	vadd.f32 v24, v7  }
.LBB2_10:
0x13c: {  	p0 =	sne.s32 s9, $0x7E00;
	v23 =	vadd.f32 v23, v31;
	v31 =	vld [tilespmem:s21+$0xE450];
	v35 =	vadd.f32 v35, v4  }
0x13d: {  	v21 =	vadd.f32 v21, v32;
	v32 =	vld [tilespmem:s21+$0xE460];
	v36 =	vadd.f32 v36, v1  }
0x13e: {  	s10 =	sshra.s32 s9, $0x2;
	v29 =	vadd.f32 v23, v29;
	v19 =	vadd.f32 v19, v34;
	v34 =	vld [tilespmem:s21+$0xE470]  }
0x13f: {  	v23 =	vld [tilespmem:s10+$0x10400];
	v28 =	vadd.f32 v21, v28;
	v22 =	vadd.f32 v22, v33  }
0x140: {  	v21 =	vld [tilespmem:s10+$0x10410];
	[tilespmem:s21+$0xE400] =	vst v29;
	v27 =	vadd.f32 v19, v27;
	v20 =	vadd.f32 v20, v30  }
0x141: {  	v19 =	vld [tilespmem:s10+$0x10420];
	[tilespmem:s21+$0xE410] =	vst v28;
	v26 =	vadd.f32 v22, v26;
	v18 =	vadd.f32 v18, v31  }
0x142: {  	v37 =	vld [tilespmem:s10+$0x6400];
	[tilespmem:s21+$0xE420] =	vst v27;
	v25 =	vadd.f32 v20, v25;
	v17 =	vadd.f32 v17, v32  }
0x143: {  	v22 =	vld [tilespmem:s10+$0x10430];
	[tilespmem:s21+$0xE430] =	vst v26;
	v24 =	vadd.f32 v18, v24;
	v16 =	vadd.f32 v16, v34  }
0x144: {  	v20 =	vld [tilespmem:s10+$0x10440];
	[tilespmem:s21+$0xE440] =	vst v25;
	v25 =	vadd.f32 v17, v35  }
0x145: {  	v18 =	vld [tilespmem:s10+$0x10450];
	[tilespmem:s21+$0xE450] =	vst v24;
	v24 =	vadd.f32 v16, v36  }
0x146: {  	v17 =	vld [tilespmem:s10+$0x10460];
	[tilespmem:s21+$0xE460] =	vst v25  }
0x147: {  	v25 =	vmul.f32 v37, v8;
	v16 =	vld [tilespmem:s10+$0x10470];
	[tilespmem:s21+$0xE470] =	vst v24;
	s21 =	smov.u32 s10  }
.Ltmp4:
0x148: {  	v24 =	vmul.f32 v37, v9;
	v26 =	vmul.f32 v37, v10;
	v31 =	vld [tilespmem:s21+$0xE400];
	(pc) =	sbr.rel @p0 .LBB2_10-.Ltmp4, $4  }
0x149: {  	v30 =	vmul.f32 v37, v11;
	v36 =	vmul.f32 v37, v12;
	v32 =	vld [tilespmem:s21+$0xE410]  }
0x14a: {  	v29 =	vadd.f32 v25, v0;
	v28 =	vadd.f32 v24, v2;
	v24 =	vmul.f32 v37, v13;
	v34 =	vld [tilespmem:s21+$0xE420]  }
0x14b: {  	v35 =	vmul.f32 v37, v14;
	v27 =	vadd.f32 v26, v3;
	v26 =	vadd.f32 v30, v5;
	v33 =	vld [tilespmem:s21+$0xE430]  }
0x14c: {  	s9 =	sadd.s32 $0x200, s9;
	v25 =	vadd.f32 v36, v6;
	v36 =	vmul.f32 v37, v15;
	v24 =	vadd.f32 v24, v7;
	v30 =	vld [tilespmem:s21+$0xE440]  }
0x14d: {  	v0 =	vadd.f32 v23, v31;
	v2 =	vld [tilespmem:s21+$0xE450];
	v3 =	vadd.f32 v35, v4  }
0x14e: {  	v5 =	vld [tilespmem:s21+$0xE460];
	v57 =	vadd.f32 v21, v32;
	v1 =	vadd.f32 v36, v1  }
0x14f: {  	v7 =	vld [tilespmem:s21+$0xE470];
	v0 =	vadd.f32 v0, v29;
	v6 =	vadd.f32 v19, v34  }
0x150: {  	v4 =	vadd.f32 v57, v28;
	v8 =	vadd.f32 v22, v33  }
0x151: {  	[tilespmem:s21+$0xE400] =	vst v0;
	v58 =	vadd.f32 v6, v27;
	v59 =	vadd.f32 v20, v30  }
0x152: {  	[tilespmem:s21+$0xE410] =	vst v4;
	v60 =	vadd.f32 v8, v26;
	v2 =	vadd.f32 v18, v2  }
0x153: {  	v5 =	vadd.f32 v17, v5;
	[tilespmem:s21+$0xE420] =	vst v58;
	v61 =	vadd.f32 v59, v25  }
0x154: {  	v62 =	vadd.f32 v16, v7;
	[tilespmem:s21+$0xE430] =	vst v60;
	v2 =	vadd.f32 v2, v24  }
0x155: {  	v63 =	vadd.f32 v5, v3;
	[tilespmem:s21+$0xE440] =	vst v61  }
0x156: {  	v1 =	vadd.f32 v62, v1;
	[tilespmem:s21+$0xE450] =	vst v2  }
0x157: {  	[tilespmem:s21+$0xE460] =	vst v63  }
0x158: {  	[tilespmem:s21+$0xE470] =	vst v1  }
0x159: {  	[hbm4b:s17+s4] =	stream.linear.scatter [tilespmem:s24], [sflag:$0xC], $0x2000, $0x38;
	[tilespmem:$0x12500] =	vst v63  }
0x15a: {  	_ =	swait.ge [sflag:s20], $0x2000  }
0x15b: {  	[sflag:s20] =	ssyncset.done $0x0  }
0x15c: {  	[sflag:s20] =	ssyncadd.s32 $0xFFFFE000  }
0x15d: {  	_ =	swait.ge [sflag:s20], $0x2000  }
0x15e: {  	[sflag:s20] =	ssyncset.done $0x0  }
0x15f: {  	s8 =	sadd.s32 $0x1, s8;
	[sflag:s20] =	ssyncadd.s32 $0xFFFFE000  }
0x160: {  	p0 =	sne.s32 s8, s18;
	_ =	swait.ge [sflag:s20], $0x2000  }
.Ltmp5:
0x161: {  	[sflag:s20] =	ssyncset.done $0x0;
	(pc) =	sbr.rel @p0 .LBB2_1-.Ltmp5, $4  }
0x162: {  	[sflag:s20] =	ssyncadd.s32 $0xFFFFE000  }
0x163: {  	_ =	swait.ge [sflag:s20], $0x2000  }
0x164: {  	[sflag:s20] =	ssyncset.done $0x0  }
0x165: {  	[sflag:s20] =	ssyncadd.s32 $0xFFFFE000  }
0x166: {  	_ =	sfence.sel $0x180000  }
0x167: {  	[bflag:$0x0] =	sbarrier.arrive $0xFFFF  }
0x168: {  	_ =	strace $0x90000047  }
0x169: {  	s0 =	stileid.u32;
	[bflag:$0x2] =	sbarrier.arrive $0xFFFF  }
0x16a: {  	p0 =	sne.s32 s0, $0x0;
	s0 =	rddreg [dreg:$0x6]  }
0x16b: {  	s0 =	sadd.s32 @!p0 $0x100000, s0  }
0x16c: {  	[sflag:s0] =	ssyncadd.tile.s32 @!p0 $0x1;
	_ =	shalt  }
.Lfunc_end2:
_tile_overlayer_lowered:
.L_overlay_start_2:
0x16d: {  	(tag) =	ssettag $0x2  }
0x16e: {  	s0 =	rddreg [dreg:$0x0];
	s2 =	stileid.u32  }
0x16f: {  	s1 =	rddreg [dreg:$0x1];
	p0 =	sne.s32 s2, $0x0  }
0x170: {  	s3 =	rddreg [dreg:$0x2];
	[bflag:$0x3] =	sbarrier.arrive $0xFFFF;
	s2 =	simm.s32 @!p0 $0x1C0D  }
0x171: {  	[timem:s3], [sflag:s2] =	dma.local @!p0 [hbm:s0], s1  }
0x172: {  	s0 =	simm.s32 @!p0 $0xD  }
0x173: {  	_ =	swait.ge @!p0 [sflag:s0], s1  }
0x174: {  	s1 =	ssub.s32 @!p0 $0x0, s1;
	[sflag:s0] =	ssyncset.done @!p0 $0x0  }
0x175: {  	[sflag:s0] =	ssyncadd.s32 @!p0 s1  }
0x176: {  	[bflag:$0x3] =	sbarrier.arrive $0xFFFF  }
0x177: {  	_ =	shalt  }

</sc_bundles>
